<compile_context>
chip_gen: v7x
topology: tpu7x:2x2x1
jax: 0.10.2.dev20260603
libtpu: 0.0.44.dev20260713+nightly
codegen_flags: <defaults>
</compile_context>

<pallas_src>
import functools

import jax
import jax.numpy as jnp
from jax import lax
from jax.experimental import pallas as pl
from jax.experimental.pallas import tpu as pltpu
from jax.experimental.pallas import tpu_sc as plsc

NUM_CORES = 2
NUM_SUBCORES = 16
LANES = 16
NUM_WORKERS = NUM_CORES * NUM_SUBCORES

BATCH = 16384
EMBED_DIM = 32
B_PER_W = BATCH // NUM_WORKERS
ROWS_PER_W = 2 * B_PER_W
GROUPS = B_PER_W // LANES

_mesh = plsc.VectorSubcoreMesh(core_axis_name="c", subcore_axis_name="s")


@functools.partial(
    pl.kernel,
    out_type=jax.ShapeDtypeStruct((BATCH,), jnp.float32),
    mesh=_mesh,
    scratch_types=[
        pltpu.VMEM((ROWS_PER_W,), jnp.int32),
        pltpu.VMEM((ROWS_PER_W, EMBED_DIM), jnp.float32),
        pltpu.VMEM((B_PER_W,), jnp.float32),
        pltpu.SemaphoreType.DMA,
    ],
    compiler_params=pltpu.CompilerParams(
        needs_layout_passes=False, use_tc_tiling_on_sc=False
    ),
)
def _road2vec_sc(xflat_hbm, table_hbm, out_hbm, idx_v, rows_v, out_v, sem):
    wid = lax.axis_index("s") * NUM_CORES + lax.axis_index("c")
    ibase = wid * ROWS_PER_W
    obase = wid * B_PER_W

    pltpu.sync_copy(xflat_hbm.at[pl.ds(ibase, ROWS_PER_W)], idx_v)
    pltpu.async_copy(table_hbm.at[idx_v], rows_v, sem).wait()

    lane = lax.iota(jnp.int32, LANES)

    def body(g, carry):
        r0 = (g * LANES + lane) * 2
        r1 = r0 + 1
        acc = jnp.zeros((LANES,), jnp.float32)
        for d in range(EMBED_DIM):
            col = jnp.full((LANES,), d, jnp.int32)
            u = plsc.load_gather(rows_v, [r0, col])
            v = plsc.load_gather(rows_v, [r1, col])
            acc = acc + u * v
        out_v[pl.ds(g * LANES, LANES)] = 1.0 / (1.0 + jnp.exp(-acc))
        return carry

    lax.fori_loop(0, GROUPS, body, 0)
    pltpu.sync_copy(out_v, out_hbm.at[pl.ds(obase, B_PER_W)])


def kernel(x, table):
    xflat = x.reshape(-1).astype(jnp.int32)
    return _road2vec_sc(xflat, table)

# --- scband reference (transcript-rebuilt; emitter-appended) ---
"""Pipeline reference for scband-road2-vec-8495445311990 (READ-ONLY COPY).

The authoritative reference and input builder live on the scoring server;
editing this copy changes nothing except your own understanding.
"""

import jax, jax.numpy as jnp
import numpy as np

NUM_ROADS = 1000000
EMBED_DIM = 32
BATCH = 16384

def setup_inputs(seed: int = 0) -> dict:
    key = jax.random.key(seed)
    k1, k2 = jax.random.split(key)
    x = jax.random.randint(k1, (BATCH, 2), 0, NUM_ROADS, dtype=jnp.int64 if jax.config.jax_enable_x64 else jnp.int32)
    # nn.Embedding default init: N(0, 1)
    table = jax.random.normal(k2, (NUM_ROADS, EMBED_DIM), dtype=jnp.float32)
    return {"x": x, "table": table}

def reference(x, table):
    uxy = jnp.take(table, x, axis=0)        # [B, 2, D]
    ux = uxy[:, 0]                          # [B, D]
    uy = uxy[:, 1]                          # [B, D]
    return jax.nn.sigmoid(jnp.sum(ux * uy, axis=1))  # [B]

if __name__ == "__main__":
    import jax
    _d = setup_inputs()
    print(jax.jit(kernel)(*tuple(_d.values())))

</pallas_src>

<mosaic_0001>
#map = affine_map<(d0, d1) -> (0)>
#map1 = affine_map<(d0, d1) -> (0, 0)>
module attributes {stable_mosaic.version = 14 : i64} {
  func.func @_road2vec_sc(%arg0: i32, %arg1: i32, %arg2: memref<32768xi32, #tpu.memory_space<hbm>>, %arg3: memref<1000000x32xf32, #tpu.memory_space<hbm>>, %arg4: memref<16384xf32, #tpu.memory_space<hbm>>, %arg5: memref<1024xi32, #tpu.memory_space<vmem>>, %arg6: memref<1024x32xf32, #tpu.memory_space<vmem>>, %arg7: memref<512xf32, #tpu.memory_space<vmem>>, %arg8: memref<!tpu.dma_semaphore, #tpu.memory_space<semaphore_mem>>) attributes {dimension_semantics = [#tpu.dimension_semantics<core_parallel>, #tpu.dimension_semantics<subcore_parallel>], iteration_bounds = array<i64: 2, 16>, scalar_prefetch = 0 : i64, scratch_operands = 4 : i64, tpu.core_type = #tpu.core_type<sc_vector_subcore>, window_params = [{transform_indices = #map}, {transform_indices = #map1}, {transform_indices = #map}]} {
    %mul3A = arith.constant 2 : i32
    %mul3A_0 = arith.muli %arg1, %mul3A : i32
    %add3A = arith.addi %mul3A_0, %arg0 : i32
    %mul3A_1 = arith.constant 1024 : i32
    %mul3A_2 = arith.muli %add3A, %mul3A_1 : i32
    %mul3A_3 = arith.constant 512 : i32
    %mul3A_4 = arith.muli %add3A, %mul3A_3 : i32
    "tpu.region"() ({
      %run_scoped3A = tpu.sem_alloc : memref<!tpu.dma_semaphore, #tpu.memory_space<semaphore_mem>>
      %dma_start3A_14 = tpu.memref_slice %arg2[%mul3A_2] : memref<32768xi32, #tpu.memory_space<hbm>> -> memref<1024xi32, #tpu.memory_space<hbm>>
      %dma_start3A_15 = tpu.memref_slice %arg2[%mul3A_2] : memref<32768xi32, #tpu.memory_space<hbm>> -> memref<1024xi32, #tpu.memory_space<hbm>>
      tpu.enqueue_dma source(%dma_start3A_15 : memref<1024xi32, #tpu.memory_space<hbm>>) target(%arg5 : memref<1024xi32, #tpu.memory_space<vmem>>) target_semaphore(%run_scoped3A : memref<!tpu.dma_semaphore, #tpu.memory_space<semaphore_mem>>)
      %dma_wait3A_16 = tpu.memref_slice %arg2[%mul3A_2] : memref<32768xi32, #tpu.memory_space<hbm>> -> memref<1024xi32, #tpu.memory_space<hbm>>
      %dma_wait3A_17 = tpu.memref_slice %arg2[%mul3A_2] : memref<32768xi32, #tpu.memory_space<hbm>> -> memref<1024xi32, #tpu.memory_space<hbm>>
      tpu.wait_dma2 semaphore(%run_scoped3A : memref<!tpu.dma_semaphore, #tpu.memory_space<semaphore_mem>>) src(%dma_wait3A_17 : memref<1024xi32, #tpu.memory_space<hbm>>) dst(%arg5 : memref<1024xi32, #tpu.memory_space<vmem>>)
      tpu.yield
    }) : () -> ()
    %dma_start3A = arith.constant 0 : i32
    %dma_start3A_5 = arith.constant 0 : i32
    %dma_start3A_6 = tpu.memref_slice %arg3[%dma_start3A, %dma_start3A_5] : memref<1000000x32xf32, #tpu.memory_space<hbm>> -> memref<1000000x32xf32, #tpu.memory_space<hbm>>
    tpu.enqueue_indirect_dma source(%dma_start3A_6 : memref<1000000x32xf32, #tpu.memory_space<hbm>>) target(%arg6 : memref<1024x32xf32, #tpu.memory_space<vmem>>) offsets(%arg5 : memref<1024xi32, #tpu.memory_space<vmem>>) semaphore(%arg8 : memref<!tpu.dma_semaphore, #tpu.memory_space<semaphore_mem>>)
    %dma_wait3A = arith.constant 0 : i32
    %dma_wait3A_7 = arith.constant 0 : i32
    %dma_wait3A_8 = tpu.memref_slice %arg3[%dma_wait3A, %dma_wait3A_7] : memref<1000000x32xf32, #tpu.memory_space<hbm>> -> memref<1000000x32xf32, #tpu.memory_space<hbm>>
    tpu.wait_indirect_dma semaphore(%arg8 : memref<!tpu.dma_semaphore, #tpu.memory_space<semaphore_mem>>) src(%dma_wait3A_8 : memref<1000000x32xf32, #tpu.memory_space<hbm>>) dst(%arg6 : memref<1024x32xf32, #tpu.memory_space<vmem>>)
    %iota3A = tpu.iota {dimensions = array<i32: 0>} : vector<16xi32>
    %scan3A = arith.constant 0 : i32
    %scan3A_9 = arith.constant 0 : i32
    %scan3A_10 = arith.constant 32 : i32
    %scan3A_11 = arith.addi %scan3A_9, %scan3A_10 : i32
    %scan3A_12 = arith.constant 1 : i32
    scf.for %scan3A_14 = %scan3A_9 to %scan3A_11 step %scan3A_12  : i32 {
      %mul3A_15 = arith.constant 16 : i32
      %mul3A_16 = arith.muli %scan3A_14, %mul3A_15 : i32
      %add3A_17 = vector.broadcast %mul3A_16 : i32 to vector<16xi32>
      %add3A_18 = arith.addi %add3A_17, %iota3A : vector<16xi32>
      %mul3A_19 = arith.constant 2 : i32
      %mul3A_20 = vector.broadcast %mul3A_19 : i32 to vector<16xi32>
      %mul3A_21 = arith.muli %add3A_18, %mul3A_20 : vector<16xi32>
      %add3A_22 = arith.constant 1 : i32
      %add3A_23 = vector.broadcast %add3A_22 : i32 to vector<16xi32>
      %add3A_24 = arith.addi %mul3A_21, %add3A_23 : vector<16xi32>
      %broadcast_in_dim3A = arith.constant 0.000000e+00 : f32
      %broadcast_in_dim3A_25 = vector.broadcast %broadcast_in_dim3A : f32 to vector<16xf32>
      %broadcast_in_dim3A_26 = arith.constant 0 : i32
      %broadcast_in_dim3A_27 = vector.broadcast %broadcast_in_dim3A_26 : i32 to vector<16xi32>
      %gather3A = tpu.vector_load_idx %arg6[%mul3A_21, %broadcast_in_dim3A_27] : memref<1024x32xf32, #tpu.memory_space<vmem>>[vector<16xi32>, vector<16xi32>], vector<16xf32>,
      %gather3A_28 = tpu.vector_load_idx %arg6[%add3A_24, %broadcast_in_dim3A_27] : memref<1024x32xf32, #tpu.memory_space<vmem>>[vector<16xi32>, vector<16xi32>], vector<16xf32>,
      %mul3A_29 = arith.mulf %gather3A, %gather3A_28 : vector<16xf32>
      %add3A_30 = arith.addf %broadcast_in_dim3A_25, %mul3A_29 : vector<16xf32>
      %broadcast_in_dim3A_31 = arith.constant 1 : i32
      %broadcast_in_dim3A_32 = vector.broadcast %broadcast_in_dim3A_31 : i32 to vector<16xi32>
      %gather3A_33 = tpu.vector_load_idx %arg6[%mul3A_21, %broadcast_in_dim3A_32] : memref<1024x32xf32, #tpu.memory_space<vmem>>[vector<16xi32>, vector<16xi32>], vector<16xf32>,
      %gather3A_34 = tpu.vector_load_idx %arg6[%add3A_24, %broadcast_in_dim3A_32] : memref<1024x32xf32, #tpu.memory_space<vmem>>[vector<16xi32>, vector<16xi32>], vector<16xf32>,
      %mul3A_35 = arith.mulf %gather3A_33, %gather3A_34 : vector<16xf32>
      %add3A_36 = arith.addf %add3A_30, %mul3A_35 : vector<16xf32>
      %broadcast_in_dim3A_37 = arith.constant 2 : i32
      %broadcast_in_dim3A_38 = vector.broadcast %broadcast_in_dim3A_37 : i32 to vector<16xi32>
      %gather3A_39 = tpu.vector_load_idx %arg6[%mul3A_21, %broadcast_in_dim3A_38] : memref<1024x32xf32, #tpu.memory_space<vmem>>[vector<16xi32>, vector<16xi32>], vector<16xf32>,
      %gather3A_40 = tpu.vector_load_idx %arg6[%add3A_24, %broadcast_in_dim3A_38] : memref<1024x32xf32, #tpu.memory_space<vmem>>[vector<16xi32>, vector<16xi32>], vector<16xf32>,
      %mul3A_41 = arith.mulf %gather3A_39, %gather3A_40 : vector<16xf32>
      %add3A_42 = arith.addf %add3A_36, %mul3A_41 : vector<16xf32>
      %broadcast_in_dim3A_43 = arith.constant 3 : i32
      %broadcast_in_dim3A_44 = vector.broadcast %broadcast_in_dim3A_43 : i32 to vector<16xi32>
      %gather3A_45 = tpu.vector_load_idx %arg6[%mul3A_21, %broadcast_in_dim3A_44] : memref<1024x32xf32, #tpu.memory_space<vmem>>[vector<16xi32>, vector<16xi32>], vector<16xf32>,
      %gather3A_46 = tpu.vector_load_idx %arg6[%add3A_24, %broadcast_in_dim3A_44] : memref<1024x32xf32, #tpu.memory_space<vmem>>[vector<16xi32>, vector<16xi32>], vector<16xf32>,
      %mul3A_47 = arith.mulf %gather3A_45, %gather3A_46 : vector<16xf32>
      %add3A_48 = arith.addf %add3A_42, %mul3A_47 : vector<16xf32>
      %broadcast_in_dim3A_49 = arith.constant 4 : i32
      %broadcast_in_dim3A_50 = vector.broadcast %broadcast_in_dim3A_49 : i32 to vector<16xi32>
      %gather3A_51 = tpu.vector_load_idx %arg6[%mul3A_21, %broadcast_in_dim3A_50] : memref<1024x32xf32, #tpu.memory_space<vmem>>[vector<16xi32>, vector<16xi32>], vector<16xf32>,
      %gather3A_52 = tpu.vector_load_idx %arg6[%add3A_24, %broadcast_in_dim3A_50] : memref<1024x32xf32, #tpu.memory_space<vmem>>[vector<16xi32>, vector<16xi32>], vector<16xf32>,
      %mul3A_53 = arith.mulf %gather3A_51, %gather3A_52 : vector<16xf32>
      %add3A_54 = arith.addf %add3A_48, %mul3A_53 : vector<16xf32>
      %broadcast_in_dim3A_55 = arith.constant 5 : i32
      %broadcast_in_dim3A_56 = vector.broadcast %broadcast_in_dim3A_55 : i32 to vector<16xi32>
      %gather3A_57 = tpu.vector_load_idx %arg6[%mul3A_21, %broadcast_in_dim3A_56] : memref<1024x32xf32, #tpu.memory_space<vmem>>[vector<16xi32>, vector<16xi32>], vector<16xf32>,
      %gather3A_58 = tpu.vector_load_idx %arg6[%add3A_24, %broadcast_in_dim3A_56] : memref<1024x32xf32, #tpu.memory_space<vmem>>[vector<16xi32>, vector<16xi32>], vector<16xf32>,
      %mul3A_59 = arith.mulf %gather3A_57, %gather3A_58 : vector<16xf32>
      %add3A_60 = arith.addf %add3A_54, %mul3A_59 : vector<16xf32>
      %broadcast_in_dim3A_61 = arith.constant 6 : i32
      %broadcast_in_dim3A_62 = vector.broadcast %broadcast_in_dim3A_61 : i32 to vector<16xi32>
      %gather3A_63 = tpu.vector_load_idx %arg6[%mul3A_21, %broadcast_in_dim3A_62] : memref<1024x32xf32, #tpu.memory_space<vmem>>[vector<16xi32>, vector<16xi32>], vector<16xf32>,
      %gather3A_64 = tpu.vector_load_idx %arg6[%add3A_24, %broadcast_in_dim3A_62] : memref<1024x32xf32, #tpu.memory_space<vmem>>[vector<16xi32>, vector<16xi32>], vector<16xf32>,
      %mul3A_65 = arith.mulf %gather3A_63, %gather3A_64 : vector<16xf32>
      %add3A_66 = arith.addf %add3A_60, %mul3A_65 : vector<16xf32>
      %broadcast_in_dim3A_67 = arith.constant 7 : i32
      %broadcast_in_dim3A_68 = vector.broadcast %broadcast_in_dim3A_67 : i32 to vector<16xi32>
      %gather3A_69 = tpu.vector_load_idx %arg6[%mul3A_21, %broadcast_in_dim3A_68] : memref<1024x32xf32, #tpu.memory_space<vmem>>[vector<16xi32>, vector<16xi32>], vector<16xf32>,
      %gather3A_70 = tpu.vector_load_idx %arg6[%add3A_24, %broadcast_in_dim3A_68] : memref<1024x32xf32, #tpu.memory_space<vmem>>[vector<16xi32>, vector<16xi32>], vector<16xf32>,
      %mul3A_71 = arith.mulf %gather3A_69, %gather3A_70 : vector<16xf32>
      %add3A_72 = arith.addf %add3A_66, %mul3A_71 : vector<16xf32>
      %broadcast_in_dim3A_73 = arith.constant 8 : i32
      %broadcast_in_dim3A_74 = vector.broadcast %broadcast_in_dim3A_73 : i32 to vector<16xi32>
      %gather3A_75 = tpu.vector_load_idx %arg6[%mul3A_21, %broadcast_in_dim3A_74] : memref<1024x32xf32, #tpu.memory_space<vmem>>[vector<16xi32>, vector<16xi32>], vector<16xf32>,
      %gather3A_76 = tpu.vector_load_idx %arg6[%add3A_24, %broadcast_in_dim3A_74] : memref<1024x32xf32, #tpu.memory_space<vmem>>[vector<16xi32>, vector<16xi32>], vector<16xf32>,
      %mul3A_77 = arith.mulf %gather3A_75, %gather3A_76 : vector<16xf32>
      %add3A_78 = arith.addf %add3A_72, %mul3A_77 : vector<16xf32>
      %broadcast_in_dim3A_79 = arith.constant 9 : i32
      %broadcast_in_dim3A_80 = vector.broadcast %broadcast_in_dim3A_79 : i32 to vector<16xi32>
      %gather3A_81 = tpu.vector_load_idx %arg6[%mul3A_21, %broadcast_in_dim3A_80] : memref<1024x32xf32, #tpu.memory_space<vmem>>[vector<16xi32>, vector<16xi32>], vector<16xf32>,
      %gather3A_82 = tpu.vector_load_idx %arg6[%add3A_24, %broadcast_in_dim3A_80] : memref<1024x32xf32, #tpu.memory_space<vmem>>[vector<16xi32>, vector<16xi32>], vector<16xf32>,
      %mul3A_83 = arith.mulf %gather3A_81, %gather3A_82 : vector<16xf32>
      %add3A_84 = arith.addf %add3A_78, %mul3A_83 : vector<16xf32>
      %broadcast_in_dim3A_85 = arith.constant 10 : i32
      %broadcast_in_dim3A_86 = vector.broadcast %broadcast_in_dim3A_85 : i32 to vector<16xi32>
      %gather3A_87 = tpu.vector_load_idx %arg6[%mul3A_21, %broadcast_in_dim3A_86] : memref<1024x32xf32, #tpu.memory_space<vmem>>[vector<16xi32>, vector<16xi32>], vector<16xf32>,
      %gather3A_88 = tpu.vector_load_idx %arg6[%add3A_24, %broadcast_in_dim3A_86] : memref<1024x32xf32, #tpu.memory_space<vmem>>[vector<16xi32>, vector<16xi32>], vector<16xf32>,
      %mul3A_89 = arith.mulf %gather3A_87, %gather3A_88 : vector<16xf32>
      %add3A_90 = arith.addf %add3A_84, %mul3A_89 : vector<16xf32>
      %broadcast_in_dim3A_91 = arith.constant 11 : i32
      %broadcast_in_dim3A_92 = vector.broadcast %broadcast_in_dim3A_91 : i32 to vector<16xi32>
      %gather3A_93 = tpu.vector_load_idx %arg6[%mul3A_21, %broadcast_in_dim3A_92] : memref<1024x32xf32, #tpu.memory_space<vmem>>[vector<16xi32>, vector<16xi32>], vector<16xf32>,
      %gather3A_94 = tpu.vector_load_idx %arg6[%add3A_24, %broadcast_in_dim3A_92] : memref<1024x32xf32, #tpu.memory_space<vmem>>[vector<16xi32>, vector<16xi32>], vector<16xf32>,
      %mul3A_95 = arith.mulf %gather3A_93, %gather3A_94 : vector<16xf32>
      %add3A_96 = arith.addf %add3A_90, %mul3A_95 : vector<16xf32>
      %broadcast_in_dim3A_97 = arith.constant 12 : i32
      %broadcast_in_dim3A_98 = vector.broadcast %broadcast_in_dim3A_97 : i32 to vector<16xi32>
      %gather3A_99 = tpu.vector_load_idx %arg6[%mul3A_21, %broadcast_in_dim3A_98] : memref<1024x32xf32, #tpu.memory_space<vmem>>[vector<16xi32>, vector<16xi32>], vector<16xf32>,
      %gather3A_100 = tpu.vector_load_idx %arg6[%add3A_24, %broadcast_in_dim3A_98] : memref<1024x32xf32, #tpu.memory_space<vmem>>[vector<16xi32>, vector<16xi32>], vector<16xf32>,
      %mul3A_101 = arith.mulf %gather3A_99, %gather3A_100 : vector<16xf32>
      %add3A_102 = arith.addf %add3A_96, %mul3A_101 : vector<16xf32>
      %broadcast_in_dim3A_103 = arith.constant 13 : i32
      %broadcast_in_dim3A_104 = vector.broadcast %broadcast_in_dim3A_103 : i32 to vector<16xi32>
      %gather3A_105 = tpu.vector_load_idx %arg6[%mul3A_21, %broadcast_in_dim3A_104] : memref<1024x32xf32, #tpu.memory_space<vmem>>[vector<16xi32>, vector<16xi32>], vector<16xf32>,
      %gather3A_106 = tpu.vector_load_idx %arg6[%add3A_24, %broadcast_in_dim3A_104] : memref<1024x32xf32, #tpu.memory_space<vmem>>[vector<16xi32>, vector<16xi32>], vector<16xf32>,
      %mul3A_107 = arith.mulf %gather3A_105, %gather3A_106 : vector<16xf32>
      %add3A_108 = arith.addf %add3A_102, %mul3A_107 : vector<16xf32>
      %broadcast_in_dim3A_109 = arith.constant 14 : i32
      %broadcast_in_dim3A_110 = vector.broadcast %broadcast_in_dim3A_109 : i32 to vector<16xi32>
      %gather3A_111 = tpu.vector_load_idx %arg6[%mul3A_21, %broadcast_in_dim3A_110] : memref<1024x32xf32, #tpu.memory_space<vmem>>[vector<16xi32>, vector<16xi32>], vector<16xf32>,
      %gather3A_112 = tpu.vector_load_idx %arg6[%add3A_24, %broadcast_in_dim3A_110] : memref<1024x32xf32, #tpu.memory_space<vmem>>[vector<16xi32>, vector<16xi32>], vector<16xf32>,
      %mul3A_113 = arith.mulf %gather3A_111, %gather3A_112 : vector<16xf32>
      %add3A_114 = arith.addf %add3A_108, %mul3A_113 : vector<16xf32>
      %broadcast_in_dim3A_115 = arith.constant 15 : i32
      %broadcast_in_dim3A_116 = vector.broadcast %broadcast_in_dim3A_115 : i32 to vector<16xi32>
      %gather3A_117 = tpu.vector_load_idx %arg6[%mul3A_21, %broadcast_in_dim3A_116] : memref<1024x32xf32, #tpu.memory_space<vmem>>[vector<16xi32>, vector<16xi32>], vector<16xf32>,
      %gather3A_118 = tpu.vector_load_idx %arg6[%add3A_24, %broadcast_in_dim3A_116] : memref<1024x32xf32, #tpu.memory_space<vmem>>[vector<16xi32>, vector<16xi32>], vector<16xf32>,
      %mul3A_119 = arith.mulf %gather3A_117, %gather3A_118 : vector<16xf32>
      %add3A_120 = arith.addf %add3A_114, %mul3A_119 : vector<16xf32>
      %broadcast_in_dim3A_121 = arith.constant 16 : i32
      %broadcast_in_dim3A_122 = vector.broadcast %broadcast_in_dim3A_121 : i32 to vector<16xi32>
      %gather3A_123 = tpu.vector_load_idx %arg6[%mul3A_21, %broadcast_in_dim3A_122] : memref<1024x32xf32, #tpu.memory_space<vmem>>[vector<16xi32>, vector<16xi32>], vector<16xf32>,
      %gather3A_124 = tpu.vector_load_idx %arg6[%add3A_24, %broadcast_in_dim3A_122] : memref<1024x32xf32, #tpu.memory_space<vmem>>[vector<16xi32>, vector<16xi32>], vector<16xf32>,
      %mul3A_125 = arith.mulf %gather3A_123, %gather3A_124 : vector<16xf32>
      %add3A_126 = arith.addf %add3A_120, %mul3A_125 : vector<16xf32>
      %broadcast_in_dim3A_127 = arith.constant 17 : i32
      %broadcast_in_dim3A_128 = vector.broadcast %broadcast_in_dim3A_127 : i32 to vector<16xi32>
      %gather3A_129 = tpu.vector_load_idx %arg6[%mul3A_21, %broadcast_in_dim3A_128] : memref<1024x32xf32, #tpu.memory_space<vmem>>[vector<16xi32>, vector<16xi32>], vector<16xf32>,
      %gather3A_130 = tpu.vector_load_idx %arg6[%add3A_24, %broadcast_in_dim3A_128] : memref<1024x32xf32, #tpu.memory_space<vmem>>[vector<16xi32>, vector<16xi32>], vector<16xf32>,
      %mul3A_131 = arith.mulf %gather3A_129, %gather3A_130 : vector<16xf32>
      %add3A_132 = arith.addf %add3A_126, %mul3A_131 : vector<16xf32>
      %broadcast_in_dim3A_133 = arith.constant 18 : i32
      %broadcast_in_dim3A_134 = vector.broadcast %broadcast_in_dim3A_133 : i32 to vector<16xi32>
      %gather3A_135 = tpu.vector_load_idx %arg6[%mul3A_21, %broadcast_in_dim3A_134] : memref<1024x32xf32, #tpu.memory_space<vmem>>[vector<16xi32>, vector<16xi32>], vector<16xf32>,
      %gather3A_136 = tpu.vector_load_idx %arg6[%add3A_24, %broadcast_in_dim3A_134] : memref<1024x32xf32, #tpu.memory_space<vmem>>[vector<16xi32>, vector<16xi32>], vector<16xf32>,
      %mul3A_137 = arith.mulf %gather3A_135, %gather3A_136 : vector<16xf32>
      %add3A_138 = arith.addf %add3A_132, %mul3A_137 : vector<16xf32>
      %broadcast_in_dim3A_139 = arith.constant 19 : i32
      %broadcast_in_dim3A_140 = vector.broadcast %broadcast_in_dim3A_139 : i32 to vector<16xi32>
      %gather3A_141 = tpu.vector_load_idx %arg6[%mul3A_21, %broadcast_in_dim3A_140] : memref<1024x32xf32, #tpu.memory_space<vmem>>[vector<16xi32>, vector<16xi32>], vector<16xf32>,
      %gather3A_142 = tpu.vector_load_idx %arg6[%add3A_24, %broadcast_in_dim3A_140] : memref<1024x32xf32, #tpu.memory_space<vmem>>[vector<16xi32>, vector<16xi32>], vector<16xf32>,
      %mul3A_143 = arith.mulf %gather3A_141, %gather3A_142 : vector<16xf32>
      %add3A_144 = arith.addf %add3A_138, %mul3A_143 : vector<16xf32>
      %broadcast_in_dim3A_145 = arith.constant 20 : i32
      %broadcast_in_dim3A_146 = vector.broadcast %broadcast_in_dim3A_145 : i32 to vector<16xi32>
      %gather3A_147 = tpu.vector_load_idx %arg6[%mul3A_21, %broadcast_in_dim3A_146] : memref<1024x32xf32, #tpu.memory_space<vmem>>[vector<16xi32>, vector<16xi32>], vector<16xf32>,
      %gather3A_148 = tpu.vector_load_idx %arg6[%add3A_24, %broadcast_in_dim3A_146] : memref<1024x32xf32, #tpu.memory_space<vmem>>[vector<16xi32>, vector<16xi32>], vector<16xf32>,
      %mul3A_149 = arith.mulf %gather3A_147, %gather3A_148 : vector<16xf32>
      %add3A_150 = arith.addf %add3A_144, %mul3A_149 : vector<16xf32>
      %broadcast_in_dim3A_151 = arith.constant 21 : i32
      %broadcast_in_dim3A_152 = vector.broadcast %broadcast_in_dim3A_151 : i32 to vector<16xi32>
      %gather3A_153 = tpu.vector_load_idx %arg6[%mul3A_21, %broadcast_in_dim3A_152] : memref<1024x32xf32, #tpu.memory_space<vmem>>[vector<16xi32>, vector<16xi32>], vector<16xf32>,
      %gather3A_154 = tpu.vector_load_idx %arg6[%add3A_24, %broadcast_in_dim3A_152] : memref<1024x32xf32, #tpu.memory_space<vmem>>[vector<16xi32>, vector<16xi32>], vector<16xf32>,
      %mul3A_155 = arith.mulf %gather3A_153, %gather3A_154 : vector<16xf32>
      %add3A_156 = arith.addf %add3A_150, %mul3A_155 : vector<16xf32>
      %broadcast_in_dim3A_157 = arith.constant 22 : i32
      %broadcast_in_dim3A_158 = vector.broadcast %broadcast_in_dim3A_157 : i32 to vector<16xi32>
      %gather3A_159 = tpu.vector_load_idx %arg6[%mul3A_21, %broadcast_in_dim3A_158] : memref<1024x32xf32, #tpu.memory_space<vmem>>[vector<16xi32>, vector<16xi32>], vector<16xf32>,
      %gather3A_160 = tpu.vector_load_idx %arg6[%add3A_24, %broadcast_in_dim3A_158] : memref<1024x32xf32, #tpu.memory_space<vmem>>[vector<16xi32>, vector<16xi32>], vector<16xf32>,
      %mul3A_161 = arith.mulf %gather3A_159, %gather3A_160 : vector<16xf32>
      %add3A_162 = arith.addf %add3A_156, %mul3A_161 : vector<16xf32>
      %broadcast_in_dim3A_163 = arith.constant 23 : i32
      %broadcast_in_dim3A_164 = vector.broadcast %broadcast_in_dim3A_163 : i32 to vector<16xi32>
      %gather3A_165 = tpu.vector_load_idx %arg6[%mul3A_21, %broadcast_in_dim3A_164] : memref<1024x32xf32, #tpu.memory_space<vmem>>[vector<16xi32>, vector<16xi32>], vector<16xf32>,
      %gather3A_166 = tpu.vector_load_idx %arg6[%add3A_24, %broadcast_in_dim3A_164] : memref<1024x32xf32, #tpu.memory_space<vmem>>[vector<16xi32>, vector<16xi32>], vector<16xf32>,
      %mul3A_167 = arith.mulf %gather3A_165, %gather3A_166 : vector<16xf32>
      %add3A_168 = arith.addf %add3A_162, %mul3A_167 : vector<16xf32>
      %broadcast_in_dim3A_169 = arith.constant 24 : i32
      %broadcast_in_dim3A_170 = vector.broadcast %broadcast_in_dim3A_169 : i32 to vector<16xi32>
      %gather3A_171 = tpu.vector_load_idx %arg6[%mul3A_21, %broadcast_in_dim3A_170] : memref<1024x32xf32, #tpu.memory_space<vmem>>[vector<16xi32>, vector<16xi32>], vector<16xf32>,
      %gather3A_172 = tpu.vector_load_idx %arg6[%add3A_24, %broadcast_in_dim3A_170] : memref<1024x32xf32, #tpu.memory_space<vmem>>[vector<16xi32>, vector<16xi32>], vector<16xf32>,
      %mul3A_173 = arith.mulf %gather3A_171, %gather3A_172 : vector<16xf32>
      %add3A_174 = arith.addf %add3A_168, %mul3A_173 : vector<16xf32>
      %broadcast_in_dim3A_175 = arith.constant 25 : i32
      %broadcast_in_dim3A_176 = vector.broadcast %broadcast_in_dim3A_175 : i32 to vector<16xi32>
      %gather3A_177 = tpu.vector_load_idx %arg6[%mul3A_21, %broadcast_in_dim3A_176] : memref<1024x32xf32, #tpu.memory_space<vmem>>[vector<16xi32>, vector<16xi32>], vector<16xf32>,
      %gather3A_178 = tpu.vector_load_idx %arg6[%add3A_24, %broadcast_in_dim3A_176] : memref<1024x32xf32, #tpu.memory_space<vmem>>[vector<16xi32>, vector<16xi32>], vector<16xf32>,
      %mul3A_179 = arith.mulf %gather3A_177, %gather3A_178 : vector<16xf32>
      %add3A_180 = arith.addf %add3A_174, %mul3A_179 : vector<16xf32>
      %broadcast_in_dim3A_181 = arith.constant 26 : i32
      %broadcast_in_dim3A_182 = vector.broadcast %broadcast_in_dim3A_181 : i32 to vector<16xi32>
      %gather3A_183 = tpu.vector_load_idx %arg6[%mul3A_21, %broadcast_in_dim3A_182] : memref<1024x32xf32, #tpu.memory_space<vmem>>[vector<16xi32>, vector<16xi32>], vector<16xf32>,
      %gather3A_184 = tpu.vector_load_idx %arg6[%add3A_24, %broadcast_in_dim3A_182] : memref<1024x32xf32, #tpu.memory_space<vmem>>[vector<16xi32>, vector<16xi32>], vector<16xf32>,
      %mul3A_185 = arith.mulf %gather3A_183, %gather3A_184 : vector<16xf32>
      %add3A_186 = arith.addf %add3A_180, %mul3A_185 : vector<16xf32>
      %broadcast_in_dim3A_187 = arith.constant 27 : i32
      %broadcast_in_dim3A_188 = vector.broadcast %broadcast_in_dim3A_187 : i32 to vector<16xi32>
      %gather3A_189 = tpu.vector_load_idx %arg6[%mul3A_21, %broadcast_in_dim3A_188] : memref<1024x32xf32, #tpu.memory_space<vmem>>[vector<16xi32>, vector<16xi32>], vector<16xf32>,
      %gather3A_190 = tpu.vector_load_idx %arg6[%add3A_24, %broadcast_in_dim3A_188] : memref<1024x32xf32, #tpu.memory_space<vmem>>[vector<16xi32>, vector<16xi32>], vector<16xf32>,
      %mul3A_191 = arith.mulf %gather3A_189, %gather3A_190 : vector<16xf32>
      %add3A_192 = arith.addf %add3A_186, %mul3A_191 : vector<16xf32>
      %broadcast_in_dim3A_193 = arith.constant 28 : i32
      %broadcast_in_dim3A_194 = vector.broadcast %broadcast_in_dim3A_193 : i32 to vector<16xi32>
      %gather3A_195 = tpu.vector_load_idx %arg6[%mul3A_21, %broadcast_in_dim3A_194] : memref<1024x32xf32, #tpu.memory_space<vmem>>[vector<16xi32>, vector<16xi32>], vector<16xf32>,
      %gather3A_196 = tpu.vector_load_idx %arg6[%add3A_24, %broadcast_in_dim3A_194] : memref<1024x32xf32, #tpu.memory_space<vmem>>[vector<16xi32>, vector<16xi32>], vector<16xf32>,
      %mul3A_197 = arith.mulf %gather3A_195, %gather3A_196 : vector<16xf32>
      %add3A_198 = arith.addf %add3A_192, %mul3A_197 : vector<16xf32>
      %broadcast_in_dim3A_199 = arith.constant 29 : i32
      %broadcast_in_dim3A_200 = vector.broadcast %broadcast_in_dim3A_199 : i32 to vector<16xi32>
      %gather3A_201 = tpu.vector_load_idx %arg6[%mul3A_21, %broadcast_in_dim3A_200] : memref<1024x32xf32, #tpu.memory_space<vmem>>[vector<16xi32>, vector<16xi32>], vector<16xf32>,
      %gather3A_202 = tpu.vector_load_idx %arg6[%add3A_24, %broadcast_in_dim3A_200] : memref<1024x32xf32, #tpu.memory_space<vmem>>[vector<16xi32>, vector<16xi32>], vector<16xf32>,
      %mul3A_203 = arith.mulf %gather3A_201, %gather3A_202 : vector<16xf32>
      %add3A_204 = arith.addf %add3A_198, %mul3A_203 : vector<16xf32>
      %broadcast_in_dim3A_205 = arith.constant 30 : i32
      %broadcast_in_dim3A_206 = vector.broadcast %broadcast_in_dim3A_205 : i32 to vector<16xi32>
      %gather3A_207 = tpu.vector_load_idx %arg6[%mul3A_21, %broadcast_in_dim3A_206] : memref<1024x32xf32, #tpu.memory_space<vmem>>[vector<16xi32>, vector<16xi32>], vector<16xf32>,
      %gather3A_208 = tpu.vector_load_idx %arg6[%add3A_24, %broadcast_in_dim3A_206] : memref<1024x32xf32, #tpu.memory_space<vmem>>[vector<16xi32>, vector<16xi32>], vector<16xf32>,
      %mul3A_209 = arith.mulf %gather3A_207, %gather3A_208 : vector<16xf32>
      %add3A_210 = arith.addf %add3A_204, %mul3A_209 : vector<16xf32>
      %broadcast_in_dim3A_211 = arith.constant 31 : i32
      %broadcast_in_dim3A_212 = vector.broadcast %broadcast_in_dim3A_211 : i32 to vector<16xi32>
      %gather3A_213 = tpu.vector_load_idx %arg6[%mul3A_21, %broadcast_in_dim3A_212] : memref<1024x32xf32, #tpu.memory_space<vmem>>[vector<16xi32>, vector<16xi32>], vector<16xf32>,
      %gather3A_214 = tpu.vector_load_idx %arg6[%add3A_24, %broadcast_in_dim3A_212] : memref<1024x32xf32, #tpu.memory_space<vmem>>[vector<16xi32>, vector<16xi32>], vector<16xf32>,
      %mul3A_215 = arith.mulf %gather3A_213, %gather3A_214 : vector<16xf32>
      %add3A_216 = arith.addf %add3A_210, %mul3A_215 : vector<16xf32>
      %neg3A = arith.constant 0.000000e+00 : f32
      %neg3A_217 = vector.broadcast %neg3A : f32 to vector<16xf32>
      %neg3A_218 = arith.subf %neg3A_217, %add3A_216 : vector<16xf32>
      %exp3A = math.exp %neg3A_218 : vector<16xf32>
      %add3A_219 = arith.constant 1.000000e+00 : f32
      %add3A_220 = vector.broadcast %add3A_219 : f32 to vector<16xf32>
      %add3A_221 = arith.addf %add3A_220, %exp3A : vector<16xf32>
      %div3A = arith.constant 1.000000e+00 : f32
      %div3A_222 = vector.broadcast %div3A : f32 to vector<16xf32>
      %div3A_223 = arith.divf %div3A_222, %add3A_221 : vector<16xf32>
      %mul3A_224 = arith.constant 16 : i32
      %mul3A_225 = arith.muli %scan3A_14, %mul3A_224 : i32
      %swap3A = arith.index_cast %mul3A_225 : i32 to index
      %swap3A_226 = tpu.vector_load %arg7[%swap3A] {strides = array<i32>} : memref<512xf32, #tpu.memory_space<vmem>>, vector<16xf32>,
      tpu.vector_store %arg7[%swap3A], %div3A_223 {strides = array<i32>} : memref<512xf32, #tpu.memory_space<vmem>>, vector<16xf32>,
    }
    %scan3A_13 = arith.constant 32 : i32
    "tpu.region"() ({
      %run_scoped3A = tpu.sem_alloc : memref<!tpu.dma_semaphore, #tpu.memory_space<semaphore_mem>>
      %dma_start3A_14 = tpu.memref_slice %arg4[%mul3A_4] : memref<16384xf32, #tpu.memory_space<hbm>> -> memref<512xf32, #tpu.memory_space<hbm>>
      %dma_start3A_15 = tpu.memref_slice %arg4[%mul3A_4] : memref<16384xf32, #tpu.memory_space<hbm>> -> memref<512xf32, #tpu.memory_space<hbm>>
      tpu.enqueue_dma source(%arg7 : memref<512xf32, #tpu.memory_space<vmem>>) target(%dma_start3A_15 : memref<512xf32, #tpu.memory_space<hbm>>) target_semaphore(%run_scoped3A : memref<!tpu.dma_semaphore, #tpu.memory_space<semaphore_mem>>)
      %dma_wait3A_16 = tpu.memref_slice %arg4[%mul3A_4] : memref<16384xf32, #tpu.memory_space<hbm>> -> memref<512xf32, #tpu.memory_space<hbm>>
      %dma_wait3A_17 = tpu.memref_slice %arg4[%mul3A_4] : memref<16384xf32, #tpu.memory_space<hbm>> -> memref<512xf32, #tpu.memory_space<hbm>>
      tpu.wait_dma2 semaphore(%run_scoped3A : memref<!tpu.dma_semaphore, #tpu.memory_space<semaphore_mem>>) src(%arg7 : memref<512xf32, #tpu.memory_space<vmem>>) dst(%dma_wait3A_17 : memref<512xf32, #tpu.memory_space<hbm>>)
      tpu.yield
    }) : () -> ()
    return
  }
}

</mosaic_0001>

<sc_bundles>
// kernel: kernel.3.cloned.1.call-start
scs
__scs_entry_jumppad:
0x0: {  	(pc) =	sbr.rel $0x88, $3  }
0x1: {  	(tag) =	ssettag $0x0;
	lr =	simm.s32 $0x1  }
0x2: {  	[smem:$0x3F9F] =	sst lr;
	_ =	strace $0xD0000000  }
0x3: {  	_ = 	snop  }
0x4: {  	_ = 	snop  }
0x5: {  	_ = 	snop  }
0x6: {  	_ = 	snop  }
0x7: {  	_ = 	snop  }
__scs_overlays_trampoline_lowered:
0x8: {  	[smem:$0x3FAE] =	sst s0  }
0x9: {  	[smem:$0x3FAF] =	sst s1  }
0xa: {  	[smem:$0x3FB0] =	sst s2  }
0xb: {  	[smem:$0x3FB1] =	sst s3  }
0xc: {  	[smem:$0x3FB2] =	sst s4  }
0xd: {  	[smem:$0x3FB3] =	sst s5  }
0xe: {  	[smem:$0x3FB4] =	sst s6  }
0xf: {  	[smem:$0x3FB5] =	sst s7  }
0x10: {  	[smem:$0x3FB6] =	sst s8  }
0x11: {  	[smem:$0x3FB7] =	sst s9;
	s0 =	simm.s32 @!p0 $0x0  }
0x12: {  	s1 =	sld [smem:$0x3F9D];
	s0 =	simm.s32 @p0 $0x1  }
0x13: {  	[smem:$0x3FB8] =	sst s0;
	s0 =	simm.s32 @!p1 $0x0  }
0x14: {  	s2 =	sld [smem:$0x3F9C];
	s0 =	simm.s32 @p1 $0x1  }
0x15: {  	[smem:$0x3FB9] =	sst s0;
	s0 =	simm.s32 @!p2 $0x0  }
0x16: {  	s3 =	sld [smem:$0x3FDB];
	s0 =	simm.s32 @p2 $0x1  }
0x17: {  	s4 =	simm.s32 $0x1BF5;
	[smem:$0x3FBB] =	sst s0  }
0x18: {  	s0 =	sld [smem:$0x3F9E];
	_ =	swait.ge [sflag:s4], $0x0  }
0x19: {  	s7 =	sld [smem:$0x3F9F]  }
0x1a: {  	s8 =	sadd.s32 $0xFFFFE003, lr  }
0x1b: {  	s9 =	sadd.s32 $0xFFFFFEF7, lr;
	s5 =	simm.s32 $0xFFFFFFFF;
	p2 =	slt.u32 s8, $0xFFFFF086  }
0x1c: {  	p1 =	slt.u32 s9, $0xF7A;
	s5 =	simm.s32 @!p2 $0x0  }
0x1d: {  	s5 =	simm.s32 @p1 $0x1;
	p0 =	seq.s32 s7, s2  }
0x1e: {  	s7 =	smul.u32 @!p0 $0xF7A, s2;
	p2 =	seq.s32 @!p0 s5, $0x0  }
0x1f: {  	s9 =	smul.u32 $0xF7A, s1;
	s8 =	simm.s32 @!p0 $0x1BF5;
	p2 =	por !p2, p0  }
0x20: {  	[sflag:s8] =	ssyncset.s32 @!p0 $0xFFFFF086;
	s6 =	sadd.s32 @!p0 s3, s7;
	s7 =	simm.s32 @!p0 $0x108  }
0x21: {  	s3 =	sadd.s32 s3, s9;
	s6 =	sadd.s32 @!p0 $0x88, s6;
	s7 =	simm.s32 @p2 $0x1082  }
0x22: {  	[simem:s7], [sflag:s8] =	dma.local @!p0 [hbm:s6], $0xF7A  }
0x23: {  	s9 =	sor.u32 $0xD0000000, s2;
	s6 =	simm.s32 $0x108;
	_ =	swait.ge @!p0 [sflag:s8], $0x0  }
0x24: {  	s3 =	sadd.s32 $0x88, s3;
	s6 =	simm.s32 @!p1 $0x1082;
	[sflag:s4] =	ssyncset.s32 $0xFFFFF086  }
0x25: {  	[simem:s6], [sflag:s4] =	dma.local [hbm:s3], $0xF7A  }
0x26: {  	[smem:$0x3F9F] =	sst s1;
	(tag) =	ssettag s2;
	_ =	strace s9  }
0x27: {  	s1 =	sld [smem:$0x3FAF]  }
0x28: {  	s2 =	sld [smem:$0x3FB0]  }
0x29: {  	s4 =	sld [smem:$0x3FB2]  }
0x2a: {  	p0 =	seq.s32 s5, $0x0;
	s5 =	sld [smem:$0x3FB3]  }
0x2b: {  	s6 =	sld [smem:$0x3FB4]  }
0x2c: {  	s7 =	sld [smem:$0x3FB5]  }
0x2d: {  	s3 =	simm.s32 $0x108;
	s8 =	sld [smem:$0x3FB6]  }
0x2e: {  	s3 =	simm.s32 @!p0 $0x1082;
	s9 =	sld [smem:$0x3FB7]  }
0x2f: {  	lr =	sadd.s32 s0, s3;
	s0 =	sld [smem:$0x3FAE]  }
0x30: {  	s3 =	sld [smem:$0x3FB1]  }
0x31: {  	[smem:$0x3FBA] =	sst s10  }
0x32: {  	s10 =	sld [smem:$0x3FB8];
	_ =	sdelay $0x3  }
0x33: {  	p0 =	seq.s32 s10, $0x1;
	s10 =	sld [smem:$0x3FBA];
	_ =	sdelay $0x3  }
0x34: {  	[smem:$0x3FBA] =	sst s10  }
0x35: {  	s10 =	sld [smem:$0x3FB9];
	_ =	sdelay $0x3  }
0x36: {  	p1 =	seq.s32 s10, $0x1;
	s10 =	sld [smem:$0x3FBA];
	_ =	sdelay $0x3  }
0x37: {  	[smem:$0x3FBA] =	sst s10  }
0x38: {  	s10 =	sld [smem:$0x3FBB]  }
0x39: {  	_ = 	snop;
	(pc) =	sbr.ind lr, $3  }
0x3a: {  	_ = 	snop  }
0x3b: {  	_ = 	snop  }
0x3c: {  	p2 =	seq.s32 s10, $0x1;
	s10 =	sld [smem:$0x3FBA]  }
0x3d: {  	_ =	shalt  }
0x3e: {  	_ =	shalt  }
0x3f: {  	_ =	shalt  }
0x40: {  	_ =	shalt  }
0x41: {  	_ =	shalt  }
0x42: {  	_ =	shalt  }
0x43: {  	_ =	shalt  }
0x44: {  	_ =	shalt  }
0x45: {  	_ =	shalt  }
0x46: {  	_ =	shalt  }
0x47: {  	_ =	shalt  }
0x48: {  	_ =	shalt  }
0x49: {  	_ =	shalt  }
0x4a: {  	_ =	shalt  }
0x4b: {  	_ =	shalt  }
0x4c: {  	_ =	shalt  }
0x4d: {  	_ =	shalt  }
0x4e: {  	_ =	shalt  }
0x4f: {  	_ =	shalt  }
0x50: {  	_ =	shalt  }
0x51: {  	_ =	shalt  }
0x52: {  	_ =	shalt  }
0x53: {  	_ =	shalt  }
0x54: {  	_ =	shalt  }
0x55: {  	_ =	shalt  }
0x56: {  	_ =	shalt  }
0x57: {  	_ =	shalt  }
0x58: {  	_ =	shalt  }
0x59: {  	_ =	shalt  }
0x5a: {  	_ =	shalt  }
0x5b: {  	_ =	shalt  }
0x5c: {  	_ =	shalt  }
0x5d: {  	_ =	shalt  }
0x5e: {  	_ =	shalt  }
0x5f: {  	_ =	shalt  }
0x60: {  	_ =	shalt  }
0x61: {  	_ =	shalt  }
0x62: {  	_ =	shalt  }
0x63: {  	_ =	shalt  }
0x64: {  	_ =	shalt  }
0x65: {  	_ =	shalt  }
0x66: {  	_ =	shalt  }
0x67: {  	_ =	shalt  }
0x68: {  	_ =	shalt  }
0x69: {  	_ =	shalt  }
0x6a: {  	_ =	shalt  }
0x6b: {  	_ =	shalt  }
0x6c: {  	_ =	shalt  }
0x6d: {  	_ =	shalt  }
0x6e: {  	_ =	shalt  }
0x6f: {  	_ =	shalt  }
0x70: {  	_ =	shalt  }
0x71: {  	_ =	shalt  }
0x72: {  	_ =	shalt  }
0x73: {  	_ =	shalt  }
0x74: {  	_ =	shalt  }
0x75: {  	_ =	shalt  }
0x76: {  	_ =	shalt  }
0x77: {  	_ =	shalt  }
0x78: {  	_ =	shalt  }
0x79: {  	_ =	shalt  }
0x7a: {  	_ =	shalt  }
0x7b: {  	_ =	shalt  }
0x7c: {  	_ =	shalt  }
0x7d: {  	_ =	shalt  }
0x7e: {  	_ =	shalt  }
0x7f: {  	_ =	shalt  }
0x80: {  	_ =	shalt  }
0x81: {  	_ =	shalt  }
0x82: {  	_ =	shalt  }
0x83: {  	_ =	shalt  }
0x84: {  	_ =	shalt  }
0x85: {  	_ =	shalt  }
0x86: {  	_ =	shalt  }
0x87: {  	_ =	shalt  }
.Lfunc_end0:
.L_simem_size_0:
called_computation_lowered:
.L_overlay_start_0:
0x88: {  	s2 =	sld [smem:$0x3FD9]  }
0x89: {  	s3 =	sld [smem:$0x3FFE];
	_ =	sdelay $0x1  }
0x8a: {  	s1 =	srdreg.scid  }
0x8b: {  	s0 =	sand.u32 $0x1, s1  }
0x8c: {  	s17 =	sshll.u32 s0, $0xA;
	s2 =	sadd.s32 s3, s2  }
0x8d: {  	s2 =	sadd.s32 s2, s17  }
0x8e: {  	[smem:$0x3FC6] =	sst s2  }
0x8f: {  	_ = 	snop  }
0x90: {  	s2 =	sld [smem:$0x3FD0];
	(tm) =	ssettm $0x1  }
0x91: {  	s18 =	sld [smem:$0x3FFB];
	_ =	sdelay $0x3  }
0x92: {  	_ =	strace s18  }
0x93: {  	s3 =	sld [smem:$0x3FFC];
	_ =	sdelay $0x3  }
0x94: {  	_ =	strace s3  }
0x95: {  	s3 =	sld [smem:$0x3FFD];
	_ =	sdelay $0x3  }
0x96: {  	_ =	strace s3  }
0x97: {  	_ =	strace $0x8FFFFFFF  }
0x98: {  	s19 =	sld [smem:$0x3FDB];
	_ =	sdelay $0x1  }
0x99: {  	s4 =	simm.s32 $_scs_section_size  }
0x9a: {  	s5 =	simm.s32 $_size__tile_overlayer_lowered;
	s6 =	simm.s32 $_tile_overlayer_lowered  }
0x9b: {  	s22 =	simm.s32 $0x1BFF;
	s21 =	sshll.u32 s6, $0x1;
	s3 =	sadd.s32 s4, s19  }
0x9c: {  	s7 =	simm.s32 $0x0;
	s20 =	sshll.u32 s5, $0x1;
	s5 =	sadd.s32 s21, s3  }
0x9d: {  	[timem:s7], [sflag:s22] =	dma.local [hbm:s5], s20  }
0x9e: {  	_ =	swait.ge [sflag:s22], s20  }
0x9f: {  	s4 =	ssub.s32 $0x0, s20;
	[sflag:s22] =	ssyncset.done $0x0  }
0xa0: {  	[sflag:s22] =	ssyncadd.s32 s4;
	_ =	sdelay $0x1  }
0xa1: {  	s23 =	simm.s32 $0x1B8B  }
0xa2: {  	_ =	swait.ge [sflag:s23], $0x1  }
0xa3: {  	[sflag:s23] =	ssyncset.done $0x0  }
0xa4: {  	s25 =	simm.s32 $0x1B8E;
	s24 =	sld [smem:$0x3FFE];
	[sflag:s23] =	ssyncadd.s32 $0xFFFFFFFF  }
0xa5: {  	s26 =	simm.s32 $execute0_lowered;
	[smem:$0x3FD2] =	sst s25  }
0xa6: {  	s5 =	sshll.u32 s26, $0x1;
	_ =	strace $0x80000046;
	[dreg:$0x1] =	wrdreg $0xFFFFFFFF  }
0xa7: {  	s28 =	simm.s32 $_size_execute0_lowered;
	s3 =	sadd.s32 s3, s5;
	[dreg:$0x0] =	wrdreg $0x0  }
0xa8: {  	s5 =	sshll.u32 s28, $0x1;
	[dreg:$0x2] =	wrdreg s3  }
0xa9: {  	[dreg:$0x3] =	wrdreg s5  }
0xaa: {  	[dreg:$0x4] =	wrdreg $0xC0  }
0xab: {  	_ =	task [dreg:s7], $0x5FFFF  }
0xac: {  	[dreg:$0x1] =	wrdreg $0xFFFFFFFF  }
0xad: {  	[dreg:$0x0] =	wrdreg $0x60  }
0xae: {  	[dreg:$0x2] =	wrdreg s24  }
0xaf: {  	[dreg:$0x3] =	wrdreg s2  }
0xb0: {  	[dreg:$0x4] =	wrdreg $0x9  }
0xb1: {  	_ =	task.clear_ibuf [dreg:s7], $0x5FFFF;
	_ =	strace $0x90000046  }
0xb2: {  	s29 =	simm.s32 $0x9;
	_ =	strace $0x80000048  }
0xb3: {  	_ =	swait.ge [sflag:s29], $0x1  }
0xb4: {  	[sflag:s29] =	ssyncadd.s32 $0xFFFFFFFF  }
0xb5: {  	_ =	strace $0x90000048  }
0xb6: {  	_ =	sfence  }
0xb7: {  	s30 =	sld [smem:$0x0];
	_ =	sdelay $0x2  }
0xb8: {  	s31 =	sshll.u32 s1, $0xD;
	s1 =	sshrl.u32 s1, $0x2  }
0xb9: {  	s3 =	sand.u32 $0x4000, s31;
	s1 =	sadd.s32 s1, s30  }
0xba: {  	s0 =	sor.u32 s3, s0;
	s1 =	sshll.u32 s1, $0x11  }
0xbb: {  	s0 =	sor.u32 s1, s0  }
0xbc: {  	s0 =	sadd.s32 $0x8F2B, s0  }
0xbd: {  	[sflag:s0] =	ssyncadd.remote.s32 $0x1  }
0xbe: {  	_ =	sfence.sel $0xFFFF  }
0xbf: {  	[dreg:$0x0] =	wrdreg $0xFFFFFFFF;
	(pc) =	sbr.abs _section_cstart, $3  }
0xc0: {  	[dreg:$0x1] =	wrdreg $0xFFFFFFFF  }
0xc1: {  	_ =	task.clear_ibuf [dreg:s7], $0x2FFFF;
	_ =	strace $0x9FFFFFFF  }
0xc2: {  	(tm) =	ssettm $0x7FFFFFFF  }
0xc3: {  	_ =	shalt  }
tec
execute0_lowered:
.L_overlay_start_1:
0x0: {  	(tag) =	ssettag $0x1  }
0x1: {  	s3 =	rddreg [dreg:$0x0];
	s1 =	srdreg.scid  }
0x2: {  	s0 =	stileid.u32;
	s5 =	rddreg [dreg:$0x1];
	s2 =	simm.s32 $0x0  }
0x3: {  	s9 =	simm.s32 $0x1;
	s10 =	simm.s32 $0x8400;
	s11 =	simm.s32 $0x0  }
0x4: {  	s4 =	sand.u32 $0x1, s1;
	s6 =	sshll.u32 s0, $0x1;
	s1 =	rddreg [dreg:$0x2]  }
0x5: {  	[smem:$0x7FF] =	sst s2;
	s6 =	sor.u32 s4, s6;
	s4 =	ssub.s32 $0x2, s4  }
0x6: {  	_ =	strace $0x80000047;
	s7 =	sshll.u32 s6, $0x7;
	s8 =	sshrl.u32 s4, $0x1  }
0x7: {  	v0 =	vlaneseq.u32;
	s6 =	sshll.u32 s6, $0x6;
	s7 =	sadd.s32 s7, s3;
	s3 =	sadd.s32 $0xF42A00, s3  }
0x8: {  	v0 =	vmul.u32 $0x40, v0;
	s8 =	ssub.s32 s4, s8;
	s5 =	sadd.s32 s5, s6;
	s4 =	sadd.s32 $0x600, s7  }
0x9: {  	s6 =	smax.u32 s8, $0x1;
	s7 =	simm.s32 $0x2;
	s8 =	simm.s32 $0x400  }
.LBB2_1:
0xa: {  	[tilespmem:s2], [sflag:$0x2] =	stream.linear.gather [hbm4b:s4+s2], $0x400, $0x38;
	v1 =	vmov s2;
	[tilespmem:$0x8600] =	vst v63  }
0xb: {  	_ =	swait.ge [sflag:s7], $0x400;
	v1 =	vshll.u32 v1, $0x6  }
0xc: {  	[sflag:s7] =	ssyncset.done $0x0;
	v1 =	vor.u32 v0, v1  }
0xd: {  	[sflag:s7] =	ssyncadd.s32 $0xFFFFFC00;
	v2 =	vor.u32 $0x20, v1  }
0xe: {  	[tilespmem:s8], [sflag:$0x1] =	stream.indirect.gather [hbm4b:s3+s8], $0x20, s2, s8, $0xb8;
	[tilespmem:$0x8600] =	vst v63  }
0xf: {  	v3 =	vor.u32 $0x1, v1;
	_ =	swait.ge [sflag:s9], $0x8000  }
0x10: {  	v4 =	vor.u32 $0x21, v1;
	[sflag:s9] =	ssyncset.done $0x0  }
0x11: {  	v5 =	vor.u32 $0x2, v1;
	[sflag:s9] =	ssyncadd.s32 $0xFFFF8000  }
0x12: {  	v6 =	vor.u32 $0x22, v1;
	v2 =	vld.idx.msk [tilespmem:v2+s8+$0x0], $0xffff  }
0x13: {  	v8 =	vor.u32 $0x3, v1;
	v7 =	vld.idx.msk [tilespmem:v1+s8+$0x0], $0xffff  }
0x14: {  	v9 =	vor.u32 $0x23, v1;
	v3 =	vld.idx.msk [tilespmem:v3+s8+$0x0], $0xffff  }
0x15: {  	v10 =	vor.u32 $0x4, v1;
	v4 =	vld.idx.msk [tilespmem:v4+s8+$0x0], $0xffff  }
0x16: {  	v11 =	vor.u32 $0x24, v1;
	v5 =	vld.idx.msk [tilespmem:v5+s8+$0x0], $0xffff  }
0x17: {  	v12 =	vor.u32 $0x5, v1;
	v6 =	vld.idx.msk [tilespmem:v6+s8+$0x0], $0xffff  }
0x18: {  	v13 =	vor.u32 $0x25, v1;
	v8 =	vld.idx.msk [tilespmem:v8+s8+$0x0], $0xffff;
	v2 =	vmul.f32 v2, v7  }
0x19: {  	v36 =	vor.u32 $0x6, v1;
	v35 =	vld.idx.msk [tilespmem:v9+s8+$0x0], $0xffff  }
0x1a: {  	v14 =	vor.u32 $0x26, v1;
	v10 =	vld.idx.msk [tilespmem:v10+s8+$0x0], $0xffff;
	v3 =	vmul.f32 v4, v3;
	v2 =	vadd.f32 $0.0e+00, v2  }
0x1b: {  	v38 =	vor.u32 $0x7, v1;
	v37 =	vld.idx.msk [tilespmem:v11+s8+$0x0], $0xffff  }
0x1c: {  	v15 =	vor.u32 $0x27, v1;
	v12 =	vld.idx.msk [tilespmem:v12+s8+$0x0], $0xffff;
	v2 =	vadd.f32 v3, v2;
	v3 =	vmul.f32 v6, v5  }
0x1d: {  	v41 =	vor.u32 $0x28, v1;
	v39 =	vld.idx.msk [tilespmem:v13+s8+$0x0], $0xffff  }
0x1e: {  	v40 =	vor.u32 $0x8, v1;
	v9 =	vld.idx.msk [tilespmem:v36+s8+$0x0], $0xffff;
	v2 =	vadd.f32 v3, v2;
	v3 =	vmul.f32 v35, v8  }
0x1f: {  	v44 =	vor.u32 $0x29, v1;
	v42 =	vld.idx.msk [tilespmem:v14+s8+$0x0], $0xffff  }
0x20: {  	v43 =	vor.u32 $0x9, v1;
	v11 =	vld.idx.msk [tilespmem:v38+s8+$0x0], $0xffff;
	v2 =	vadd.f32 v3, v2;
	v3 =	vmul.f32 v37, v10  }
0x21: {  	v47 =	vor.u32 $0x2A, v1;
	v45 =	vld.idx.msk [tilespmem:v15+s8+$0x0], $0xffff  }
0x22: {  	v46 =	vor.u32 $0xA, v1;
	v48 =	vld.idx.msk [tilespmem:v41+s8+$0x0], $0xffff;
	v2 =	vadd.f32 v3, v2;
	v3 =	vmul.f32 v39, v12  }
0x23: {  	v50 =	vor.u32 $0x2B, v1;
	v6 =	vld.idx.msk [tilespmem:v40+s8+$0x0], $0xffff  }
0x24: {  	v49 =	vor.u32 $0xB, v1;
	v51 =	vld.idx.msk [tilespmem:v44+s8+$0x0], $0xffff;
	v2 =	vadd.f32 v3, v2;
	v3 =	vmul.f32 v42, v9  }
0x25: {  	v53 =	vor.u32 $0x2C, v1;
	v8 =	vld.idx.msk [tilespmem:v43+s8+$0x0], $0xffff  }
0x26: {  	v52 =	vor.u32 $0xC, v1;
	v54 =	vld.idx.msk [tilespmem:v47+s8+$0x0], $0xffff;
	v2 =	vadd.f32 v3, v2;
	v3 =	vmul.f32 v45, v11  }
0x27: {  	v56 =	vor.u32 $0x2D, v1;
	v10 =	vld.idx.msk [tilespmem:v46+s8+$0x0], $0xffff  }
0x28: {  	v55 =	vor.u32 $0xD, v1;
	v57 =	vld.idx.msk [tilespmem:v50+s8+$0x0], $0xffff;
	v2 =	vadd.f32 v3, v2;
	v3 =	vmul.f32 v48, v6  }
0x29: {  	v59 =	vor.u32 $0x2E, v1;
	v12 =	vld.idx.msk [tilespmem:v49+s8+$0x0], $0xffff  }
0x2a: {  	v58 =	vor.u32 $0xE, v1;
	v60 =	vld.idx.msk [tilespmem:v53+s8+$0x0], $0xffff;
	v2 =	vadd.f32 v3, v2;
	v3 =	vmul.f32 v51, v8  }
0x2b: {  	v62 =	vor.u32 $0x2F, v1;
	v9 =	vld.idx.msk [tilespmem:v52+s8+$0x0], $0xffff  }
0x2c: {  	v61 =	vor.u32 $0xF, v1;
	v63 =	vld.idx.msk [tilespmem:v56+s8+$0x0], $0xffff;
	v2 =	vadd.f32 v3, v2;
	v3 =	vmul.f32 v54, v10  }
0x2d: {  	v19 =	vor.u32 $0x30, v1;
	v11 =	vld.idx.msk [tilespmem:v55+s8+$0x0], $0xffff  }
0x2e: {  	v18 =	vor.u32 $0x10, v1;
	v20 =	vld.idx.msk [tilespmem:v59+s8+$0x0], $0xffff;
	v2 =	vadd.f32 v3, v2;
	v3 =	vmul.f32 v57, v12  }
0x2f: {  	v22 =	vor.u32 $0x31, v1;
	v6 =	vld.idx.msk [tilespmem:v58+s8+$0x0], $0xffff  }
0x30: {  	v21 =	vor.u32 $0x11, v1;
	v23 =	vld.idx.msk [tilespmem:v62+s8+$0x0], $0xffff;
	v2 =	vadd.f32 v3, v2;
	v3 =	vmul.f32 v60, v9  }
0x31: {  	v25 =	vor.u32 $0x32, v1;
	v8 =	vld.idx.msk [tilespmem:v61+s8+$0x0], $0xffff  }
0x32: {  	v24 =	vor.u32 $0x12, v1;
	v26 =	vld.idx.msk [tilespmem:v19+s8+$0x0], $0xffff;
	v2 =	vadd.f32 v3, v2;
	v3 =	vmul.f32 v63, v11  }
0x33: {  	v28 =	vor.u32 $0x33, v1;
	v10 =	vld.idx.msk [tilespmem:v18+s8+$0x0], $0xffff  }
0x34: {  	v27 =	vor.u32 $0x13, v1;
	v29 =	vld.idx.msk [tilespmem:v22+s8+$0x0], $0xffff;
	v2 =	vadd.f32 v3, v2;
	v3 =	vmul.f32 v20, v6  }
0x35: {  	v31 =	vor.u32 $0x34, v1;
	v12 =	vld.idx.msk [tilespmem:v21+s8+$0x0], $0xffff  }
0x36: {  	v30 =	vor.u32 $0x14, v1;
	v32 =	vld.idx.msk [tilespmem:v25+s8+$0x0], $0xffff;
	v2 =	vadd.f32 v3, v2;
	v3 =	vmul.f32 v23, v8  }
0x37: {  	v34 =	vor.u32 $0x35, v1;
	v9 =	vld.idx.msk [tilespmem:v24+s8+$0x0], $0xffff  }
0x38: {  	v33 =	vor.u32 $0x15, v1;
	v35 =	vld.idx.msk [tilespmem:v28+s8+$0x0], $0xffff;
	v2 =	vadd.f32 v3, v2;
	v3 =	vmul.f32 v26, v10  }
0x39: {  	v37 =	vor.u32 $0x36, v1;
	v11 =	vld.idx.msk [tilespmem:v27+s8+$0x0], $0xffff  }
0x3a: {  	v36 =	vor.u32 $0x16, v1;
	v38 =	vld.idx.msk [tilespmem:v31+s8+$0x0], $0xffff;
	v2 =	vadd.f32 v3, v2;
	v3 =	vmul.f32 v29, v12  }
0x3b: {  	v40 =	vor.u32 $0x37, v1;
	v6 =	vld.idx.msk [tilespmem:v30+s8+$0x0], $0xffff  }
0x3c: {  	v41 =	vld.idx.msk [tilespmem:v34+s8+$0x0], $0xffff;
	v39 =	vor.u32 $0x17, v1;
	v2 =	vadd.f32 v3, v2;
	v3 =	vmul.f32 v32, v9  }
0x3d: {  	v43 =	vor.u32 $0x38, v1;
	v8 =	vld.idx.msk [tilespmem:v33+s8+$0x0], $0xffff  }
0x3e: {  	v42 =	vor.u32 $0x18, v1;
	v44 =	vld.idx.msk [tilespmem:v37+s8+$0x0], $0xffff;
	v2 =	vadd.f32 v3, v2;
	v3 =	vmul.f32 v35, v11  }
0x3f: {  	v46 =	vor.u32 $0x39, v1;
	v10 =	vld.idx.msk [tilespmem:v36+s8+$0x0], $0xffff  }
0x40: {  	v47 =	vld.idx.msk [tilespmem:v40+s8+$0x0], $0xffff;
	v45 =	vor.u32 $0x19, v1;
	v2 =	vadd.f32 v3, v2;
	v3 =	vmul.f32 v38, v6  }
0x41: {  	v49 =	vor.u32 $0x3A, v1;
	v12 =	vld.idx.msk [tilespmem:v39+s8+$0x0], $0xffff  }
0x42: {  	v50 =	vld.idx.msk [tilespmem:v43+s8+$0x0], $0xffff;
	v48 =	vor.u32 $0x1A, v1;
	v2 =	vadd.f32 v3, v2;
	v3 =	vmul.f32 v41, v8  }
0x43: {  	v52 =	vor.u32 $0x3B, v1;
	v9 =	vld.idx.msk [tilespmem:v42+s8+$0x0], $0xffff  }
0x44: {  	v53 =	vld.idx.msk [tilespmem:v46+s8+$0x0], $0xffff;
	v51 =	vor.u32 $0x1B, v1;
	v2 =	vadd.f32 v3, v2;
	v3 =	vmul.f32 v44, v10  }
0x45: {  	v55 =	vor.u32 $0x3C, v1;
	v11 =	vld.idx.msk [tilespmem:v45+s8+$0x0], $0xffff  }
0x46: {  	v56 =	vld.idx.msk [tilespmem:v49+s8+$0x0], $0xffff;
	v54 =	vor.u32 $0x1C, v1;
	v2 =	vadd.f32 v3, v2;
	v3 =	vmul.f32 v47, v12  }
0x47: {  	v58 =	vor.u32 $0x3D, v1;
	v6 =	vld.idx.msk [tilespmem:v48+s8+$0x0], $0xffff  }
0x48: {  	v59 =	vld.idx.msk [tilespmem:v52+s8+$0x0], $0xffff;
	v57 =	vor.u32 $0x1D, v1;
	v2 =	vadd.f32 v3, v2;
	v3 =	vmul.f32 v50, v9  }
0x49: {  	v61 =	vor.u32 $0x3E, v1;
	v8 =	vld.idx.msk [tilespmem:v51+s8+$0x0], $0xffff  }
0x4a: {  	v62 =	vld.idx.msk [tilespmem:v55+s8+$0x0], $0xffff;
	v60 =	vor.u32 $0x1E, v1;
	v2 =	vadd.f32 v3, v2;
	v3 =	vmul.f32 v53, v11  }
0x4b: {  	v63 =	vor.u32 $0x1F, v1;
	v10 =	vld.idx.msk [tilespmem:v54+s8+$0x0], $0xffff  }
0x4c: {  	v15 =	vld.idx.msk [tilespmem:v58+s8+$0x0], $0xffff;
	v1 =	vor.u32 $0x3F, v1;
	v2 =	vadd.f32 v3, v2;
	v3 =	vmul.f32 v56, v6  }
0x4d: {  	v12 =	vld.idx.msk [tilespmem:v57+s8+$0x0], $0xffff  }
0x4e: {  	v17 =	vld.idx.msk [tilespmem:v61+s8+$0x0], $0xffff;
	v2 =	vadd.f32 v3, v2;
	v3 =	vmul.f32 v59, v8  }
0x4f: {  	v16 =	vld.idx.msk [tilespmem:v60+s8+$0x0], $0xffff  }
0x50: {  	v18 =	vld.idx.msk [tilespmem:v63+s8+$0x0], $0xffff;
	v2 =	vadd.f32 v3, v2;
	v3 =	vmul.f32 v62, v10  }
0x51: {  	v1 =	vld.idx.msk [tilespmem:v1+s8+$0x0], $0xffff  }
0x52: {  	v2 =	vadd.f32 v3, v2;
	v3 =	vmul.f32 v15, v12;
	_ =	sdelay $0x1  }
0x53: {  	v2 =	vadd.f32 v3, v2;
	v3 =	vmul.f32 v17, v16;
	_ =	sdelay $0x1  }
0x54: {  	v1 =	vmul.f32 v1, v18;
	v2 =	vadd.f32 v3, v2;
	_ =	sdelay $0x1  }
0x55: {  	v1 =	vadd.f32 v1, v2;
	_ =	sdelay $0x1  }
0x56: {  	v1 =	vsub.f32 $0.0e+00, v1;
	_ =	sdelay $0x1  }
0x57: {  	v1 =	vmul.f32 $1.442695020e+00, v1;
	_ =	sdelay $0x1  }
0x58: {  	(erf) = vpow2.f32 v1;
	_ =	sdelay $0x8  }
0x59: {  	v1 =	vpop (erf)  }
0x5a: {  	v1 =	vadd.f32 $1.000000000e+00, v1;
	_ =	sdelay $0x1  }
0x5b: {  	(erf) = vrcp.f32 v1;
	_ =	sdelay $0x1  }
0x5c: {  	s12 =	simm.s32 $0x10  }
0x5d: {  	v1 =	vmov s12  }
0x5e: {  	v1 =	vshll.u32 v1, $0x6  }
0x5f: {  	v1 =	vor.u32 v0, v1  }
0x60: {  	v2 =	vor.u32 $0x20, v1;
	_ =	sdelay $0x1  }
0x61: {  	v3 =	vor.u32 $0x1, v1  }
0x62: {  	v19 =	vor.u32 $0x21, v1;
	v20 =	vpop (erf)  }
0x63: {  	v21 =	vor.u32 $0x2, v1;
	[tilespmem:s10+$0x0] =	vst v20  }
0x64: {  	v22 =	vor.u32 $0x22, v1;
	v2 =	vld.idx.msk [tilespmem:v2+s8+$0x0], $0xffff  }
0x65: {  	v24 =	vor.u32 $0x3, v1;
	v23 =	vld.idx.msk [tilespmem:v1+s8+$0x0], $0xffff  }
0x66: {  	v25 =	vor.u32 $0x23, v1;
	v3 =	vld.idx.msk [tilespmem:v3+s8+$0x0], $0xffff  }
0x67: {  	v26 =	vor.u32 $0x4, v1;
	v4 =	vld.idx.msk [tilespmem:v19+s8+$0x0], $0xffff  }
0x68: {  	v27 =	vor.u32 $0x24, v1;
	v6 =	vld.idx.msk [tilespmem:v21+s8+$0x0], $0xffff  }
0x69: {  	v28 =	vor.u32 $0x5, v1;
	v5 =	vld.idx.msk [tilespmem:v22+s8+$0x0], $0xffff  }
0x6a: {  	v29 =	vor.u32 $0x25, v1;
	v8 =	vld.idx.msk [tilespmem:v24+s8+$0x0], $0xffff;
	v2 =	vmul.f32 v2, v23  }
0x6b: {  	v31 =	vor.u32 $0x6, v1;
	v30 =	vld.idx.msk [tilespmem:v25+s8+$0x0], $0xffff  }
0x6c: {  	v32 =	vor.u32 $0x26, v1;
	v10 =	vld.idx.msk [tilespmem:v26+s8+$0x0], $0xffff;
	v3 =	vmul.f32 v4, v3;
	v2 =	vadd.f32 $0.0e+00, v2  }
0x6d: {  	v34 =	vor.u32 $0x7, v1;
	v33 =	vld.idx.msk [tilespmem:v27+s8+$0x0], $0xffff  }
0x6e: {  	v35 =	vor.u32 $0x27, v1;
	v12 =	vld.idx.msk [tilespmem:v28+s8+$0x0], $0xffff;
	v2 =	vadd.f32 v3, v2;
	v3 =	vmul.f32 v5, v6  }
0x6f: {  	v38 =	vor.u32 $0x28, v1;
	v36 =	vld.idx.msk [tilespmem:v29+s8+$0x0], $0xffff  }
0x70: {  	v37 =	vor.u32 $0x8, v1;
	v9 =	vld.idx.msk [tilespmem:v31+s8+$0x0], $0xffff;
	v2 =	vadd.f32 v3, v2;
	v3 =	vmul.f32 v30, v8  }
0x71: {  	v41 =	vor.u32 $0x29, v1;
	v39 =	vld.idx.msk [tilespmem:v32+s8+$0x0], $0xffff  }
0x72: {  	v40 =	vor.u32 $0x9, v1;
	v11 =	vld.idx.msk [tilespmem:v34+s8+$0x0], $0xffff;
	v2 =	vadd.f32 v3, v2;
	v3 =	vmul.f32 v33, v10  }
0x73: {  	v44 =	vor.u32 $0x2A, v1;
	v42 =	vld.idx.msk [tilespmem:v35+s8+$0x0], $0xffff  }
0x74: {  	v43 =	vor.u32 $0xA, v1;
	v45 =	vld.idx.msk [tilespmem:v38+s8+$0x0], $0xffff;
	v2 =	vadd.f32 v3, v2;
	v3 =	vmul.f32 v36, v12  }
0x75: {  	v47 =	vor.u32 $0x2B, v1;
	v6 =	vld.idx.msk [tilespmem:v37+s8+$0x0], $0xffff  }
0x76: {  	v46 =	vor.u32 $0xB, v1;
	v48 =	vld.idx.msk [tilespmem:v41+s8+$0x0], $0xffff;
	v2 =	vadd.f32 v3, v2;
	v3 =	vmul.f32 v39, v9  }
0x77: {  	v50 =	vor.u32 $0x2C, v1;
	v8 =	vld.idx.msk [tilespmem:v40+s8+$0x0], $0xffff  }
0x78: {  	v49 =	vor.u32 $0xC, v1;
	v51 =	vld.idx.msk [tilespmem:v44+s8+$0x0], $0xffff;
	v2 =	vadd.f32 v3, v2;
	v3 =	vmul.f32 v42, v11  }
0x79: {  	v53 =	vor.u32 $0x2D, v1;
	v10 =	vld.idx.msk [tilespmem:v43+s8+$0x0], $0xffff  }
0x7a: {  	v52 =	vor.u32 $0xD, v1;
	v54 =	vld.idx.msk [tilespmem:v47+s8+$0x0], $0xffff;
	v2 =	vadd.f32 v3, v2;
	v3 =	vmul.f32 v45, v6  }
0x7b: {  	v56 =	vor.u32 $0x2E, v1;
	v12 =	vld.idx.msk [tilespmem:v46+s8+$0x0], $0xffff  }
0x7c: {  	v55 =	vor.u32 $0xE, v1;
	v57 =	vld.idx.msk [tilespmem:v50+s8+$0x0], $0xffff;
	v2 =	vadd.f32 v3, v2;
	v3 =	vmul.f32 v48, v8  }
0x7d: {  	v59 =	vor.u32 $0x2F, v1;
	v9 =	vld.idx.msk [tilespmem:v49+s8+$0x0], $0xffff  }
0x7e: {  	v58 =	vor.u32 $0xF, v1;
	v60 =	vld.idx.msk [tilespmem:v53+s8+$0x0], $0xffff;
	v2 =	vadd.f32 v3, v2;
	v3 =	vmul.f32 v51, v10  }
0x7f: {  	v62 =	vor.u32 $0x30, v1;
	v11 =	vld.idx.msk [tilespmem:v52+s8+$0x0], $0xffff  }
0x80: {  	v61 =	vor.u32 $0x10, v1;
	v63 =	vld.idx.msk [tilespmem:v56+s8+$0x0], $0xffff;
	v2 =	vadd.f32 v3, v2;
	v3 =	vmul.f32 v54, v12  }
0x81: {  	v18 =	vor.u32 $0x31, v1;
	v6 =	vld.idx.msk [tilespmem:v55+s8+$0x0], $0xffff  }
0x82: {  	v17 =	vor.u32 $0x11, v1;
	v19 =	vld.idx.msk [tilespmem:v59+s8+$0x0], $0xffff;
	v2 =	vadd.f32 v3, v2;
	v3 =	vmul.f32 v57, v9  }
0x83: {  	v21 =	vor.u32 $0x32, v1;
	v8 =	vld.idx.msk [tilespmem:v58+s8+$0x0], $0xffff  }
0x84: {  	v20 =	vor.u32 $0x12, v1;
	v22 =	vld.idx.msk [tilespmem:v62+s8+$0x0], $0xffff;
	v2 =	vadd.f32 v3, v2;
	v3 =	vmul.f32 v60, v11  }
0x85: {  	v24 =	vor.u32 $0x33, v1;
	v10 =	vld.idx.msk [tilespmem:v61+s8+$0x0], $0xffff  }
0x86: {  	v25 =	vld.idx.msk [tilespmem:v18+s8+$0x0], $0xffff;
	v23 =	vor.u32 $0x13, v1;
	v2 =	vadd.f32 v3, v2;
	v3 =	vmul.f32 v63, v6  }
0x87: {  	v27 =	vor.u32 $0x34, v1;
	v12 =	vld.idx.msk [tilespmem:v17+s8+$0x0], $0xffff  }
0x88: {  	v26 =	vor.u32 $0x14, v1;
	v28 =	vld.idx.msk [tilespmem:v21+s8+$0x0], $0xffff;
	v2 =	vadd.f32 v3, v2;
	v3 =	vmul.f32 v19, v8  }
0x89: {  	v30 =	vor.u32 $0x35, v1;
	v9 =	vld.idx.msk [tilespmem:v20+s8+$0x0], $0xffff  }
0x8a: {  	v29 =	vor.u32 $0x15, v1;
	v31 =	vld.idx.msk [tilespmem:v24+s8+$0x0], $0xffff;
	v2 =	vadd.f32 v3, v2;
	v3 =	vmul.f32 v22, v10  }
0x8b: {  	v33 =	vor.u32 $0x36, v1;
	v11 =	vld.idx.msk [tilespmem:v23+s8+$0x0], $0xffff  }
0x8c: {  	v32 =	vor.u32 $0x16, v1;
	v34 =	vld.idx.msk [tilespmem:v27+s8+$0x0], $0xffff;
	v2 =	vadd.f32 v3, v2;
	v3 =	vmul.f32 v25, v12  }
0x8d: {  	v36 =	vor.u32 $0x37, v1;
	v6 =	vld.idx.msk [tilespmem:v26+s8+$0x0], $0xffff  }
0x8e: {  	v35 =	vor.u32 $0x17, v1;
	v37 =	vld.idx.msk [tilespmem:v30+s8+$0x0], $0xffff;
	v2 =	vadd.f32 v3, v2;
	v3 =	vmul.f32 v28, v9  }
0x8f: {  	v39 =	vor.u32 $0x38, v1;
	v8 =	vld.idx.msk [tilespmem:v29+s8+$0x0], $0xffff  }
0x90: {  	v38 =	vor.u32 $0x18, v1;
	v40 =	vld.idx.msk [tilespmem:v33+s8+$0x0], $0xffff;
	v2 =	vadd.f32 v3, v2;
	v3 =	vmul.f32 v31, v11  }
0x91: {  	v42 =	vor.u32 $0x39, v1;
	v10 =	vld.idx.msk [tilespmem:v32+s8+$0x0], $0xffff  }
0x92: {  	v41 =	vor.u32 $0x19, v1;
	v43 =	vld.idx.msk [tilespmem:v36+s8+$0x0], $0xffff;
	v2 =	vadd.f32 v3, v2;
	v3 =	vmul.f32 v34, v6  }
0x93: {  	v45 =	vor.u32 $0x3A, v1;
	v12 =	vld.idx.msk [tilespmem:v35+s8+$0x0], $0xffff  }
0x94: {  	v44 =	vor.u32 $0x1A, v1;
	v46 =	vld.idx.msk [tilespmem:v39+s8+$0x0], $0xffff;
	v2 =	vadd.f32 v3, v2;
	v3 =	vmul.f32 v37, v8  }
0x95: {  	v48 =	vor.u32 $0x3B, v1;
	v9 =	vld.idx.msk [tilespmem:v38+s8+$0x0], $0xffff  }
0x96: {  	v47 =	vor.u32 $0x1B, v1;
	v49 =	vld.idx.msk [tilespmem:v42+s8+$0x0], $0xffff;
	v2 =	vadd.f32 v3, v2;
	v3 =	vmul.f32 v40, v10  }
0x97: {  	v51 =	vor.u32 $0x3C, v1;
	v11 =	vld.idx.msk [tilespmem:v41+s8+$0x0], $0xffff  }
0x98: {  	v50 =	vor.u32 $0x1C, v1;
	v52 =	vld.idx.msk [tilespmem:v45+s8+$0x0], $0xffff;
	v2 =	vadd.f32 v3, v2;
	v3 =	vmul.f32 v43, v12  }
0x99: {  	v54 =	vor.u32 $0x3D, v1;
	v6 =	vld.idx.msk [tilespmem:v44+s8+$0x0], $0xffff  }
0x9a: {  	v53 =	vor.u32 $0x1D, v1;
	v55 =	vld.idx.msk [tilespmem:v48+s8+$0x0], $0xffff;
	v2 =	vadd.f32 v3, v2;
	v3 =	vmul.f32 v46, v9  }
0x9b: {  	v56 =	vor.u32 $0x1E, v1;
	v8 =	vld.idx.msk [tilespmem:v47+s8+$0x0], $0xffff  }
0x9c: {  	v57 =	vor.u32 $0x3E, v1;
	v58 =	vld.idx.msk [tilespmem:v51+s8+$0x0], $0xffff;
	v2 =	vadd.f32 v3, v2;
	v3 =	vmul.f32 v49, v11  }
0x9d: {  	v59 =	vor.u32 $0x1F, v1;
	v10 =	vld.idx.msk [tilespmem:v50+s8+$0x0], $0xffff  }
0x9e: {  	v1 =	vor.u32 $0x3F, v1;
	v60 =	vld.idx.msk [tilespmem:v54+s8+$0x0], $0xffff;
	v2 =	vadd.f32 v3, v2;
	v3 =	vmul.f32 v52, v6  }
0x9f: {  	v12 =	vld.idx.msk [tilespmem:v53+s8+$0x0], $0xffff  }
0xa0: {  	v61 =	vld.idx.msk [tilespmem:v56+s8+$0x0], $0xffff;
	v2 =	vadd.f32 v3, v2;
	v3 =	vmul.f32 v55, v8  }
0xa1: {  	v62 =	vld.idx.msk [tilespmem:v57+s8+$0x0], $0xffff  }
0xa2: {  	v63 =	vld.idx.msk [tilespmem:v59+s8+$0x0], $0xffff;
	v2 =	vadd.f32 v3, v2;
	v3 =	vmul.f32 v58, v10  }
0xa3: {  	v1 =	vld.idx.msk [tilespmem:v1+s8+$0x0], $0xffff  }
0xa4: {  	v2 =	vadd.f32 v3, v2;
	v3 =	vmul.f32 v60, v12;
	_ =	sdelay $0x1  }
0xa5: {  	v2 =	vadd.f32 v3, v2;
	v3 =	vmul.f32 v62, v61;
	_ =	sdelay $0x1  }
0xa6: {  	v1 =	vmul.f32 v1, v63;
	v2 =	vadd.f32 v3, v2;
	_ =	sdelay $0x1  }
0xa7: {  	v1 =	vadd.f32 v1, v2;
	_ =	sdelay $0x1  }
0xa8: {  	v1 =	vsub.f32 $0.0e+00, v1;
	_ =	sdelay $0x1  }
0xa9: {  	v1 =	vmul.f32 $1.442695020e+00, v1;
	_ =	sdelay $0x1  }
0xaa: {  	(erf) = vpow2.f32 v1;
	_ =	sdelay $0x8  }
0xab: {  	v1 =	vpop (erf)  }
0xac: {  	v1 =	vadd.f32 $1.000000000e+00, v1;
	_ =	sdelay $0x1  }
0xad: {  	(erf) = vrcp.f32 v1;
	_ =	sdelay $0x1  }
0xae: {  	s31 =	simm.s32 $0x20  }
0xaf: {  	v2 =	vmov s31  }
0xb0: {  	s13 =	simm.s32 $0x30;
	s12 =	simm.s32 $0x8400;
	v1 =	vshll.u32 v2, $0x6  }
.LBB2_2:
0xb1: {  	p0 =	sne.s32 s13, $0x1F0;
	v1 =	vor.u32 v0, v1  }
0xb2: {  	v2 =	vor.u32 $0x20, v1;
	_ =	sdelay $0x1  }
0xb3: {  	v3 =	vor.u32 $0x1, v1  }
0xb4: {  	s12 =	sadd.s32 $0x10, s12;
	v4 =	vor.u32 $0x21, v1;
	v5 =	vpop (erf)  }
0xb5: {  	v6 =	vor.u32 $0x2, v1;
	[tilespmem:s12+$0x0] =	vst v5  }
0xb6: {  	v5 =	vor.u32 $0x22, v1;
	v2 =	vld.idx.msk [tilespmem:v2+s8+$0x0], $0xffff  }
0xb7: {  	v8 =	vor.u32 $0x3, v1;
	v7 =	vld.idx.msk [tilespmem:v1+s8+$0x0], $0xffff  }
0xb8: {  	v9 =	vor.u32 $0x23, v1;
	v3 =	vld.idx.msk [tilespmem:v3+s8+$0x0], $0xffff  }
0xb9: {  	v10 =	vor.u32 $0x4, v1;
	v4 =	vld.idx.msk [tilespmem:v4+s8+$0x0], $0xffff  }
0xba: {  	v11 =	vor.u32 $0x24, v1;
	v6 =	vld.idx.msk [tilespmem:v6+s8+$0x0], $0xffff  }
0xbb: {  	v12 =	vor.u32 $0x5, v1;
	v5 =	vld.idx.msk [tilespmem:v5+s8+$0x0], $0xffff  }
0xbc: {  	v13 =	vor.u32 $0x25, v1;
	v8 =	vld.idx.msk [tilespmem:v8+s8+$0x0], $0xffff  }
0xbd: {  	v2 =	vmul.f32 v2, v7;
	v7 =	vld.idx.msk [tilespmem:v9+s8+$0x0], $0xffff;
	v9 =	vor.u32 $0x6, v1  }
0xbe: {  	v14 =	vor.u32 $0x26, v1;
	v10 =	vld.idx.msk [tilespmem:v10+s8+$0x0], $0xffff  }
0xbf: {  	v2 =	vadd.f32 $0.0e+00, v2;
	v3 =	vmul.f32 v4, v3;
	v4 =	vld.idx.msk [tilespmem:v11+s8+$0x0], $0xffff;
	v11 =	vor.u32 $0x7, v1  }
0xc0: {  	v15 =	vor.u32 $0x27, v1;
	v12 =	vld.idx.msk [tilespmem:v12+s8+$0x0], $0xffff  }
0xc1: {  	v2 =	vadd.f32 v3, v2;
	v3 =	vmul.f32 v5, v6;
	v6 =	vor.u32 $0x8, v1;
	v5 =	vld.idx.msk [tilespmem:v13+s8+$0x0], $0xffff  }
0xc2: {  	v13 =	vor.u32 $0x28, v1;
	v9 =	vld.idx.msk [tilespmem:v9+s8+$0x0], $0xffff  }
0xc3: {  	v2 =	vadd.f32 v3, v2;
	v3 =	vmul.f32 v7, v8;
	v8 =	vor.u32 $0x9, v1;
	v7 =	vld.idx.msk [tilespmem:v14+s8+$0x0], $0xffff  }
0xc4: {  	v14 =	vor.u32 $0x29, v1;
	v11 =	vld.idx.msk [tilespmem:v11+s8+$0x0], $0xffff  }
0xc5: {  	v2 =	vadd.f32 v3, v2;
	v3 =	vmul.f32 v4, v10;
	v10 =	vor.u32 $0xA, v1;
	v4 =	vld.idx.msk [tilespmem:v15+s8+$0x0], $0xffff  }
0xc6: {  	v15 =	vor.u32 $0x2A, v1;
	v6 =	vld.idx.msk [tilespmem:v6+s8+$0x0], $0xffff  }
0xc7: {  	v2 =	vadd.f32 v3, v2;
	v3 =	vmul.f32 v5, v12;
	v12 =	vor.u32 $0xB, v1;
	v5 =	vld.idx.msk [tilespmem:v13+s8+$0x0], $0xffff  }
0xc8: {  	v13 =	vor.u32 $0x2B, v1;
	v8 =	vld.idx.msk [tilespmem:v8+s8+$0x0], $0xffff  }
0xc9: {  	v2 =	vadd.f32 v3, v2;
	v3 =	vmul.f32 v7, v9;
	v9 =	vor.u32 $0xC, v1;
	v7 =	vld.idx.msk [tilespmem:v14+s8+$0x0], $0xffff  }
0xca: {  	v14 =	vor.u32 $0x2C, v1;
	v10 =	vld.idx.msk [tilespmem:v10+s8+$0x0], $0xffff  }
0xcb: {  	v2 =	vadd.f32 v3, v2;
	v3 =	vmul.f32 v4, v11;
	v11 =	vor.u32 $0xD, v1;
	v4 =	vld.idx.msk [tilespmem:v15+s8+$0x0], $0xffff  }
0xcc: {  	v15 =	vor.u32 $0x2D, v1;
	v12 =	vld.idx.msk [tilespmem:v12+s8+$0x0], $0xffff  }
0xcd: {  	v2 =	vadd.f32 v3, v2;
	v3 =	vmul.f32 v5, v6;
	v6 =	vor.u32 $0xE, v1;
	v5 =	vld.idx.msk [tilespmem:v13+s8+$0x0], $0xffff  }
0xce: {  	v13 =	vor.u32 $0x2E, v1;
	v9 =	vld.idx.msk [tilespmem:v9+s8+$0x0], $0xffff  }
0xcf: {  	v2 =	vadd.f32 v3, v2;
	v3 =	vmul.f32 v7, v8;
	v8 =	vor.u32 $0xF, v1;
	v7 =	vld.idx.msk [tilespmem:v14+s8+$0x0], $0xffff  }
0xd0: {  	v14 =	vor.u32 $0x2F, v1;
	v11 =	vld.idx.msk [tilespmem:v11+s8+$0x0], $0xffff  }
0xd1: {  	v2 =	vadd.f32 v3, v2;
	v3 =	vmul.f32 v4, v10;
	v10 =	vor.u32 $0x10, v1;
	v4 =	vld.idx.msk [tilespmem:v15+s8+$0x0], $0xffff  }
0xd2: {  	v15 =	vor.u32 $0x30, v1;
	v6 =	vld.idx.msk [tilespmem:v6+s8+$0x0], $0xffff  }
0xd3: {  	v2 =	vadd.f32 v3, v2;
	v3 =	vmul.f32 v5, v12;
	v12 =	vor.u32 $0x11, v1;
	v5 =	vld.idx.msk [tilespmem:v13+s8+$0x0], $0xffff  }
0xd4: {  	v13 =	vor.u32 $0x31, v1;
	v8 =	vld.idx.msk [tilespmem:v8+s8+$0x0], $0xffff  }
0xd5: {  	v2 =	vadd.f32 v3, v2;
	v3 =	vmul.f32 v7, v9;
	v9 =	vor.u32 $0x12, v1;
	v7 =	vld.idx.msk [tilespmem:v14+s8+$0x0], $0xffff  }
0xd6: {  	v14 =	vor.u32 $0x32, v1;
	v10 =	vld.idx.msk [tilespmem:v10+s8+$0x0], $0xffff  }
0xd7: {  	v2 =	vadd.f32 v3, v2;
	v3 =	vmul.f32 v4, v11;
	v11 =	vor.u32 $0x13, v1;
	v4 =	vld.idx.msk [tilespmem:v15+s8+$0x0], $0xffff  }
0xd8: {  	v15 =	vor.u32 $0x33, v1;
	v12 =	vld.idx.msk [tilespmem:v12+s8+$0x0], $0xffff  }
0xd9: {  	v2 =	vadd.f32 v3, v2;
	v3 =	vmul.f32 v5, v6;
	v6 =	vor.u32 $0x14, v1;
	v5 =	vld.idx.msk [tilespmem:v13+s8+$0x0], $0xffff  }
0xda: {  	v13 =	vor.u32 $0x34, v1;
	v9 =	vld.idx.msk [tilespmem:v9+s8+$0x0], $0xffff  }
0xdb: {  	v2 =	vadd.f32 v3, v2;
	v3 =	vmul.f32 v7, v8;
	v8 =	vor.u32 $0x15, v1;
	v7 =	vld.idx.msk [tilespmem:v14+s8+$0x0], $0xffff  }
0xdc: {  	v14 =	vor.u32 $0x35, v1;
	v11 =	vld.idx.msk [tilespmem:v11+s8+$0x0], $0xffff  }
0xdd: {  	v2 =	vadd.f32 v3, v2;
	v3 =	vmul.f32 v4, v10;
	v10 =	vor.u32 $0x16, v1;
	v4 =	vld.idx.msk [tilespmem:v15+s8+$0x0], $0xffff  }
0xde: {  	v15 =	vor.u32 $0x36, v1;
	v6 =	vld.idx.msk [tilespmem:v6+s8+$0x0], $0xffff  }
0xdf: {  	v2 =	vadd.f32 v3, v2;
	v3 =	vmul.f32 v5, v12;
	v12 =	vor.u32 $0x17, v1;
	v5 =	vld.idx.msk [tilespmem:v13+s8+$0x0], $0xffff  }
0xe0: {  	v13 =	vor.u32 $0x37, v1;
	v8 =	vld.idx.msk [tilespmem:v8+s8+$0x0], $0xffff  }
0xe1: {  	v2 =	vadd.f32 v3, v2;
	v3 =	vmul.f32 v7, v9;
	v9 =	vor.u32 $0x18, v1;
	v7 =	vld.idx.msk [tilespmem:v14+s8+$0x0], $0xffff  }
0xe2: {  	v14 =	vor.u32 $0x38, v1;
	v10 =	vld.idx.msk [tilespmem:v10+s8+$0x0], $0xffff  }
0xe3: {  	v2 =	vadd.f32 v3, v2;
	v3 =	vmul.f32 v4, v11;
	v11 =	vor.u32 $0x19, v1;
	v4 =	vld.idx.msk [tilespmem:v15+s8+$0x0], $0xffff  }
0xe4: {  	v15 =	vor.u32 $0x39, v1;
	v12 =	vld.idx.msk [tilespmem:v12+s8+$0x0], $0xffff  }
0xe5: {  	v2 =	vadd.f32 v3, v2;
	v3 =	vmul.f32 v5, v6;
	v6 =	vor.u32 $0x1A, v1;
	v5 =	vld.idx.msk [tilespmem:v13+s8+$0x0], $0xffff  }
0xe6: {  	v13 =	vor.u32 $0x3A, v1;
	v9 =	vld.idx.msk [tilespmem:v9+s8+$0x0], $0xffff  }
0xe7: {  	v2 =	vadd.f32 v3, v2;
	v3 =	vmul.f32 v7, v8;
	v8 =	vor.u32 $0x1B, v1;
	v7 =	vld.idx.msk [tilespmem:v14+s8+$0x0], $0xffff  }
0xe8: {  	v14 =	vor.u32 $0x3B, v1;
	v11 =	vld.idx.msk [tilespmem:v11+s8+$0x0], $0xffff  }
0xe9: {  	v2 =	vadd.f32 v3, v2;
	v3 =	vmul.f32 v4, v10;
	v10 =	vor.u32 $0x1C, v1;
	v4 =	vld.idx.msk [tilespmem:v15+s8+$0x0], $0xffff  }
0xea: {  	v15 =	vor.u32 $0x3C, v1;
	v6 =	vld.idx.msk [tilespmem:v6+s8+$0x0], $0xffff  }
0xeb: {  	v2 =	vadd.f32 v3, v2;
	v3 =	vmul.f32 v5, v12;
	v12 =	vor.u32 $0x1D, v1;
	v5 =	vld.idx.msk [tilespmem:v13+s8+$0x0], $0xffff  }
0xec: {  	v13 =	vor.u32 $0x3D, v1;
	v8 =	vld.idx.msk [tilespmem:v8+s8+$0x0], $0xffff  }
0xed: {  	v2 =	vadd.f32 v3, v2;
	v3 =	vmul.f32 v7, v9;
	v9 =	vor.u32 $0x1E, v1;
	v7 =	vld.idx.msk [tilespmem:v14+s8+$0x0], $0xffff  }
0xee: {  	v14 =	vor.u32 $0x3E, v1;
	v10 =	vld.idx.msk [tilespmem:v10+s8+$0x0], $0xffff  }
0xef: {  	v2 =	vadd.f32 v3, v2;
	v3 =	vmul.f32 v4, v11;
	v11 =	vor.u32 $0x1F, v1;
	v4 =	vld.idx.msk [tilespmem:v15+s8+$0x0], $0xffff  }
0xf0: {  	v1 =	vor.u32 $0x3F, v1;
	v12 =	vld.idx.msk [tilespmem:v12+s8+$0x0], $0xffff  }
0xf1: {  	v2 =	vadd.f32 v3, v2;
	v3 =	vmul.f32 v5, v6;
	v5 =	vld.idx.msk [tilespmem:v13+s8+$0x0], $0xffff  }
0xf2: {  	v6 =	vld.idx.msk [tilespmem:v9+s8+$0x0], $0xffff  }
0xf3: {  	v2 =	vadd.f32 v3, v2;
	v3 =	vmul.f32 v7, v8;
	v7 =	vld.idx.msk [tilespmem:v14+s8+$0x0], $0xffff  }
0xf4: {  	v8 =	vld.idx.msk [tilespmem:v11+s8+$0x0], $0xffff  }
0xf5: {  	v2 =	vadd.f32 v3, v2;
	v3 =	vmul.f32 v4, v10;
	v1 =	vld.idx.msk [tilespmem:v1+s8+$0x0], $0xffff;
	_ =	sdelay $0x1  }
0xf6: {  	v2 =	vadd.f32 v3, v2;
	v3 =	vmul.f32 v5, v12;
	_ =	sdelay $0x1  }
0xf7: {  	v2 =	vadd.f32 v3, v2;
	v3 =	vmul.f32 v7, v6;
	_ =	sdelay $0x1  }
0xf8: {  	v2 =	vadd.f32 v3, v2;
	v1 =	vmul.f32 v1, v8;
	_ =	sdelay $0x1  }
0xf9: {  	v1 =	vadd.f32 v1, v2;
	_ =	sdelay $0x1  }
0xfa: {  	v1 =	vsub.f32 $0.0e+00, v1;
	_ =	sdelay $0x1  }
0xfb: {  	v1 =	vmul.f32 $1.442695020e+00, v1;
	_ =	sdelay $0x1  }
0xfc: {  	(erf) = vpow2.f32 v1;
	_ =	sdelay $0x8  }
0xfd: {  	v1 =	vpop (erf)  }
0xfe: {  	v1 =	vadd.f32 $1.000000000e+00, v1;
	_ =	sdelay $0x1  }
.Ltmp0:
0xff: {  	(erf) = vrcp.f32 v1;
	(pc) =	sbr.rel @p0 .LBB2_2-.Ltmp0, $3  }
0x100: {  	_ =	sdelay $0x1  }
0x101: {  	v1 =	vmov s13  }
0x102: {  	s13 =	sadd.s32 $0x10, s13;
	v1 =	vshll.u32 v1, $0x6  }
0x103: {  	v1 =	vor.u32 v0, v1  }
0x104: {  	v2 =	vor.u32 $0x20, v1;
	_ =	sdelay $0x1  }
0x105: {  	v3 =	vor.u32 $0x1, v1  }
0x106: {  	s12 =	sadd.s32 $0x10, s12;
	v4 =	vor.u32 $0x21, v1;
	v5 =	vpop (erf)  }
0x107: {  	v6 =	vor.u32 $0x2, v1;
	[tilespmem:s12+$0x0] =	vst v5  }
0x108: {  	v31 =	vor.u32 $0x22, v1;
	v2 =	vld.idx.msk [tilespmem:v2+s8+$0x0], $0xffff  }
0x109: {  	v8 =	vor.u32 $0x3, v1;
	v7 =	vld.idx.msk [tilespmem:v1+s8+$0x0], $0xffff  }
0x10a: {  	v9 =	vor.u32 $0x23, v1;
	v3 =	vld.idx.msk [tilespmem:v3+s8+$0x0], $0xffff  }
0x10b: {  	v10 =	vor.u32 $0x4, v1;
	v4 =	vld.idx.msk [tilespmem:v4+s8+$0x0], $0xffff  }
0x10c: {  	v11 =	vor.u32 $0x24, v1;
	v6 =	vld.idx.msk [tilespmem:v6+s8+$0x0], $0xffff  }
0x10d: {  	v12 =	vor.u32 $0x5, v1;
	v5 =	vld.idx.msk [tilespmem:v31+s8+$0x0], $0xffff  }
0x10e: {  	v13 =	vor.u32 $0x25, v1;
	v8 =	vld.idx.msk [tilespmem:v8+s8+$0x0], $0xffff;
	v2 =	vmul.f32 v2, v7  }
0x10f: {  	v33 =	vor.u32 $0x6, v1;
	v32 =	vld.idx.msk [tilespmem:v9+s8+$0x0], $0xffff  }
0x110: {  	v14 =	vor.u32 $0x26, v1;
	v10 =	vld.idx.msk [tilespmem:v10+s8+$0x0], $0xffff;
	v3 =	vmul.f32 v4, v3;
	v2 =	vadd.f32 $0.0e+00, v2  }
0x111: {  	v35 =	vor.u32 $0x7, v1;
	v34 =	vld.idx.msk [tilespmem:v11+s8+$0x0], $0xffff  }
0x112: {  	v15 =	vor.u32 $0x27, v1;
	v12 =	vld.idx.msk [tilespmem:v12+s8+$0x0], $0xffff;
	v2 =	vadd.f32 v3, v2;
	v3 =	vmul.f32 v5, v6  }
0x113: {  	v38 =	vor.u32 $0x28, v1;
	v36 =	vld.idx.msk [tilespmem:v13+s8+$0x0], $0xffff  }
0x114: {  	v37 =	vor.u32 $0x8, v1;
	v9 =	vld.idx.msk [tilespmem:v33+s8+$0x0], $0xffff;
	v2 =	vadd.f32 v3, v2;
	v3 =	vmul.f32 v32, v8  }
0x115: {  	v41 =	vor.u32 $0x29, v1;
	v39 =	vld.idx.msk [tilespmem:v14+s8+$0x0], $0xffff  }
0x116: {  	v40 =	vor.u32 $0x9, v1;
	v11 =	vld.idx.msk [tilespmem:v35+s8+$0x0], $0xffff;
	v2 =	vadd.f32 v3, v2;
	v3 =	vmul.f32 v34, v10  }
0x117: {  	v44 =	vor.u32 $0x2A, v1;
	v42 =	vld.idx.msk [tilespmem:v15+s8+$0x0], $0xffff  }
0x118: {  	v43 =	vor.u32 $0xA, v1;
	v45 =	vld.idx.msk [tilespmem:v38+s8+$0x0], $0xffff;
	v2 =	vadd.f32 v3, v2;
	v3 =	vmul.f32 v36, v12  }
0x119: {  	v47 =	vor.u32 $0x2B, v1;
	v6 =	vld.idx.msk [tilespmem:v37+s8+$0x0], $0xffff  }
0x11a: {  	v46 =	vor.u32 $0xB, v1;
	v48 =	vld.idx.msk [tilespmem:v41+s8+$0x0], $0xffff;
	v2 =	vadd.f32 v3, v2;
	v3 =	vmul.f32 v39, v9  }
0x11b: {  	v50 =	vor.u32 $0x2C, v1;
	v8 =	vld.idx.msk [tilespmem:v40+s8+$0x0], $0xffff  }
0x11c: {  	v49 =	vor.u32 $0xC, v1;
	v51 =	vld.idx.msk [tilespmem:v44+s8+$0x0], $0xffff;
	v2 =	vadd.f32 v3, v2;
	v3 =	vmul.f32 v42, v11  }
0x11d: {  	v53 =	vor.u32 $0x2D, v1;
	v10 =	vld.idx.msk [tilespmem:v43+s8+$0x0], $0xffff  }
0x11e: {  	v52 =	vor.u32 $0xD, v1;
	v54 =	vld.idx.msk [tilespmem:v47+s8+$0x0], $0xffff;
	v2 =	vadd.f32 v3, v2;
	v3 =	vmul.f32 v45, v6  }
0x11f: {  	v56 =	vor.u32 $0x2E, v1;
	v12 =	vld.idx.msk [tilespmem:v46+s8+$0x0], $0xffff  }
0x120: {  	v55 =	vor.u32 $0xE, v1;
	v57 =	vld.idx.msk [tilespmem:v50+s8+$0x0], $0xffff;
	v2 =	vadd.f32 v3, v2;
	v3 =	vmul.f32 v48, v8  }
0x121: {  	v59 =	vor.u32 $0x2F, v1;
	v9 =	vld.idx.msk [tilespmem:v49+s8+$0x0], $0xffff  }
0x122: {  	v58 =	vor.u32 $0xF, v1;
	v60 =	vld.idx.msk [tilespmem:v53+s8+$0x0], $0xffff;
	v2 =	vadd.f32 v3, v2;
	v3 =	vmul.f32 v51, v10  }
0x123: {  	v62 =	vor.u32 $0x30, v1;
	v11 =	vld.idx.msk [tilespmem:v52+s8+$0x0], $0xffff  }
0x124: {  	v61 =	vor.u32 $0x10, v1;
	v63 =	vld.idx.msk [tilespmem:v56+s8+$0x0], $0xffff;
	v2 =	vadd.f32 v3, v2;
	v3 =	vmul.f32 v54, v12  }
0x125: {  	v18 =	vor.u32 $0x31, v1;
	v6 =	vld.idx.msk [tilespmem:v55+s8+$0x0], $0xffff  }
0x126: {  	v17 =	vor.u32 $0x11, v1;
	v19 =	vld.idx.msk [tilespmem:v59+s8+$0x0], $0xffff;
	v2 =	vadd.f32 v3, v2;
	v3 =	vmul.f32 v57, v9  }
0x127: {  	v21 =	vor.u32 $0x32, v1;
	v8 =	vld.idx.msk [tilespmem:v58+s8+$0x0], $0xffff  }
0x128: {  	v20 =	vor.u32 $0x12, v1;
	v22 =	vld.idx.msk [tilespmem:v62+s8+$0x0], $0xffff;
	v2 =	vadd.f32 v3, v2;
	v3 =	vmul.f32 v60, v11  }
0x129: {  	v24 =	vor.u32 $0x33, v1;
	v10 =	vld.idx.msk [tilespmem:v61+s8+$0x0], $0xffff  }
0x12a: {  	v23 =	vor.u32 $0x13, v1;
	v25 =	vld.idx.msk [tilespmem:v18+s8+$0x0], $0xffff;
	v2 =	vadd.f32 v3, v2;
	v3 =	vmul.f32 v63, v6  }
0x12b: {  	v27 =	vor.u32 $0x34, v1;
	v12 =	vld.idx.msk [tilespmem:v17+s8+$0x0], $0xffff  }
0x12c: {  	v26 =	vor.u32 $0x14, v1;
	v28 =	vld.idx.msk [tilespmem:v21+s8+$0x0], $0xffff;
	v2 =	vadd.f32 v3, v2;
	v3 =	vmul.f32 v19, v8  }
0x12d: {  	v30 =	vor.u32 $0x35, v1;
	v9 =	vld.idx.msk [tilespmem:v20+s8+$0x0], $0xffff  }
0x12e: {  	v29 =	vor.u32 $0x15, v1;
	v31 =	vld.idx.msk [tilespmem:v24+s8+$0x0], $0xffff;
	v2 =	vadd.f32 v3, v2;
	v3 =	vmul.f32 v22, v10  }
0x12f: {  	v33 =	vor.u32 $0x36, v1;
	v11 =	vld.idx.msk [tilespmem:v23+s8+$0x0], $0xffff  }
0x130: {  	v32 =	vor.u32 $0x16, v1;
	v34 =	vld.idx.msk [tilespmem:v27+s8+$0x0], $0xffff;
	v2 =	vadd.f32 v3, v2;
	v3 =	vmul.f32 v25, v12  }
0x131: {  	v36 =	vor.u32 $0x37, v1;
	v6 =	vld.idx.msk [tilespmem:v26+s8+$0x0], $0xffff  }
0x132: {  	v35 =	vor.u32 $0x17, v1;
	v37 =	vld.idx.msk [tilespmem:v30+s8+$0x0], $0xffff;
	v2 =	vadd.f32 v3, v2;
	v3 =	vmul.f32 v28, v9  }
0x133: {  	v39 =	vor.u32 $0x38, v1;
	v8 =	vld.idx.msk [tilespmem:v29+s8+$0x0], $0xffff  }
0x134: {  	v38 =	vor.u32 $0x18, v1;
	v40 =	vld.idx.msk [tilespmem:v33+s8+$0x0], $0xffff;
	v2 =	vadd.f32 v3, v2;
	v3 =	vmul.f32 v31, v11  }
0x135: {  	v42 =	vor.u32 $0x39, v1;
	v10 =	vld.idx.msk [tilespmem:v32+s8+$0x0], $0xffff  }
0x136: {  	v41 =	vor.u32 $0x19, v1;
	v43 =	vld.idx.msk [tilespmem:v36+s8+$0x0], $0xffff;
	v2 =	vadd.f32 v3, v2;
	v3 =	vmul.f32 v34, v6  }
0x137: {  	v45 =	vor.u32 $0x3A, v1;
	v12 =	vld.idx.msk [tilespmem:v35+s8+$0x0], $0xffff  }
0x138: {  	v44 =	vor.u32 $0x1A, v1;
	v46 =	vld.idx.msk [tilespmem:v39+s8+$0x0], $0xffff;
	v2 =	vadd.f32 v3, v2;
	v3 =	vmul.f32 v37, v8  }
0x139: {  	v48 =	vor.u32 $0x3B, v1;
	v9 =	vld.idx.msk [tilespmem:v38+s8+$0x0], $0xffff  }
0x13a: {  	v47 =	vor.u32 $0x1B, v1;
	v49 =	vld.idx.msk [tilespmem:v42+s8+$0x0], $0xffff;
	v2 =	vadd.f32 v3, v2;
	v3 =	vmul.f32 v40, v10  }
0x13b: {  	v51 =	vor.u32 $0x3C, v1;
	v11 =	vld.idx.msk [tilespmem:v41+s8+$0x0], $0xffff  }
0x13c: {  	v50 =	vor.u32 $0x1C, v1;
	v52 =	vld.idx.msk [tilespmem:v45+s8+$0x0], $0xffff;
	v2 =	vadd.f32 v3, v2;
	v3 =	vmul.f32 v43, v12  }
0x13d: {  	v54 =	vor.u32 $0x3D, v1;
	v6 =	vld.idx.msk [tilespmem:v44+s8+$0x0], $0xffff  }
0x13e: {  	v53 =	vor.u32 $0x1D, v1;
	v55 =	vld.idx.msk [tilespmem:v48+s8+$0x0], $0xffff;
	v2 =	vadd.f32 v3, v2;
	v3 =	vmul.f32 v46, v9  }
0x13f: {  	v56 =	vor.u32 $0x1E, v1;
	v8 =	vld.idx.msk [tilespmem:v47+s8+$0x0], $0xffff  }
0x140: {  	v57 =	vor.u32 $0x3E, v1;
	v58 =	vld.idx.msk [tilespmem:v51+s8+$0x0], $0xffff;
	v2 =	vadd.f32 v3, v2;
	v3 =	vmul.f32 v49, v11  }
0x141: {  	v59 =	vor.u32 $0x1F, v1;
	v10 =	vld.idx.msk [tilespmem:v50+s8+$0x0], $0xffff  }
0x142: {  	v1 =	vor.u32 $0x3F, v1;
	v60 =	vld.idx.msk [tilespmem:v54+s8+$0x0], $0xffff;
	v2 =	vadd.f32 v3, v2;
	v3 =	vmul.f32 v52, v6  }
0x143: {  	v12 =	vld.idx.msk [tilespmem:v53+s8+$0x0], $0xffff  }
0x144: {  	v61 =	vld.idx.msk [tilespmem:v56+s8+$0x0], $0xffff;
	v2 =	vadd.f32 v3, v2;
	v3 =	vmul.f32 v55, v8  }
0x145: {  	v62 =	vld.idx.msk [tilespmem:v57+s8+$0x0], $0xffff  }
0x146: {  	v63 =	vld.idx.msk [tilespmem:v59+s8+$0x0], $0xffff;
	v2 =	vadd.f32 v3, v2;
	v3 =	vmul.f32 v58, v10  }
0x147: {  	v1 =	vld.idx.msk [tilespmem:v1+s8+$0x0], $0xffff  }
0x148: {  	v2 =	vadd.f32 v3, v2;
	v3 =	vmul.f32 v60, v12;
	_ =	sdelay $0x1  }
0x149: {  	v2 =	vadd.f32 v3, v2;
	v3 =	vmul.f32 v62, v61;
	_ =	sdelay $0x1  }
0x14a: {  	v1 =	vmul.f32 v1, v63;
	v2 =	vadd.f32 v3, v2;
	_ =	sdelay $0x1  }
0x14b: {  	v1 =	vadd.f32 v1, v2;
	_ =	sdelay $0x1  }
0x14c: {  	v1 =	vsub.f32 $0.0e+00, v1;
	_ =	sdelay $0x1  }
0x14d: {  	v1 =	vmul.f32 $1.442695020e+00, v1;
	_ =	sdelay $0x1  }
0x14e: {  	(erf) = vpow2.f32 v1;
	_ =	sdelay $0x8  }
0x14f: {  	v1 =	vpop (erf)  }
0x150: {  	v1 =	vadd.f32 $1.000000000e+00, v1;
	_ =	sdelay $0x1  }
0x151: {  	(erf) = vrcp.f32 v1;
	_ =	sdelay $0x7  }
0x152: {  	s11 =	sadd.s32 $0x1, s11  }
0x153: {  	p0 =	sne.s32 s11, s6;
	s12 =	sadd.s32 $0x10, s12;
	v1 =	vpop (erf)  }
.Ltmp1:
0x154: {  	[tilespmem:s12+$0x0] =	vst v1;
	(pc) =	sbr.rel @p0 .LBB2_1-.Ltmp1, $4  }
0x155: {  	[hbm4b:s5+s2] =	stream.linear.scatter [tilespmem:s10], [sflag:$0x2], $0x200, $0x38;
	[tilespmem:$0x8600] =	vst v63  }
0x156: {  	_ =	swait.ge [sflag:s7], $0x200  }
0x157: {  	[sflag:s7] =	ssyncset.done $0x0  }
0x158: {  	[sflag:s7] =	ssyncadd.s32 $0xFFFFFE00  }
0x159: {  	_ =	sfence.sel $0x180000  }
0x15a: {  	[bflag:$0x0] =	sbarrier.arrive $0xFFFF  }
0x15b: {  	p0 =	sne.s32 s0, $0x0;
	_ =	strace $0x90000047  }
0x15c: {  	s0 =	sadd.s32 @!p0 $0x100000, s1;
	[bflag:$0x2] =	sbarrier.arrive $0xFFFF  }
0x15d: {  	[sflag:s0] =	ssyncadd.tile.s32 @!p0 $0x1;
	_ =	shalt  }
.Lfunc_end2:
_tile_overlayer_lowered:
.L_overlay_start_2:
0x15e: {  	(tag) =	ssettag $0x2  }
0x15f: {  	s0 =	rddreg [dreg:$0x0];
	s2 =	stileid.u32  }
0x160: {  	s1 =	rddreg [dreg:$0x1];
	p0 =	sne.s32 s2, $0x0  }
0x161: {  	s3 =	rddreg [dreg:$0x2];
	[bflag:$0x3] =	sbarrier.arrive $0xFFFF;
	s2 =	simm.s32 @!p0 $0x1C02  }
0x162: {  	[timem:s3], [sflag:s2] =	dma.local @!p0 [hbm:s0], s1  }
0x163: {  	s0 =	simm.s32 @!p0 $0x2  }
0x164: {  	_ =	swait.ge @!p0 [sflag:s0], s1  }
0x165: {  	s1 =	ssub.s32 @!p0 $0x0, s1;
	[sflag:s0] =	ssyncset.done @!p0 $0x0  }
0x166: {  	[sflag:s0] =	ssyncadd.s32 @!p0 s1  }
0x167: {  	[bflag:$0x3] =	sbarrier.arrive $0xFFFF  }
0x168: {  	_ =	shalt  }

</sc_bundles>
